<compile_context>
chip_gen: v7x
topology: tpu7x:2x2x1
jax: 0.10.2.dev20260603
libtpu: 0.0.44.dev20260713+nightly
codegen_flags: <defaults>
</compile_context>

<pallas_src>
import functools
import math

import jax
import jax.numpy as jnp
from jax import lax
from jax.experimental import pallas as pl
from jax.experimental.pallas import tpu as pltpu
from jax.experimental.pallas import tpu_sc as plsc

_EMBED = 128
_MIN_VAL = -math.pi
_INTERVAL = 2.0 * math.pi

_NC, _NS, _L = 2, 16, 16
_NW = _NC * _NS
_B = 4096 * 200
_PER_W = _B // _NW
_C = 256
_CHUNKS = _PER_W // _C
_NV = _C // _L


def _onehot_sc(angle_flat):
    mesh = plsc.VectorSubcoreMesh(core_axis_name="c", subcore_axis_name="s")

    @functools.partial(
        pl.kernel,
        out_type=jax.ShapeDtypeStruct((_B, _EMBED), jnp.float32),
        mesh=mesh,
        compiler_params=pltpu.CompilerParams(needs_layout_passes=False),
        scratch_types=[
            pltpu.VMEM((_PER_W,), jnp.float32),
            pltpu.VMEM((_C, _EMBED), jnp.float32),
            pltpu.VMEM((_C, _EMBED), jnp.float32),
            pltpu.VMEM((_C,), jnp.int32),
            pltpu.VMEM((_C,), jnp.int32),
            pltpu.SemaphoreType.DMA,
            pltpu.SemaphoreType.DMA,
        ],
    )
    def k(angle_hbm, out_hbm, angle_v, out_a, out_b, col_a, col_b,
          sem_a, sem_b):
        wid = lax.axis_index("s") * _NC + lax.axis_index("c")
        wbase = wid * _PER_W

        pltpu.sync_copy(angle_hbm.at[pl.ds(wbase, _PER_W)], angle_v)

        lane = lax.iota(jnp.int32, _L)
        zeros = jnp.zeros((_L,), jnp.float32)
        ones = jnp.full((_L,), 1.0, jnp.float32)
        zcols = jnp.zeros((_L,), jnp.int32)
        inv = jnp.float32(1.0 / _INTERVAL)
        mn = jnp.float32(_MIN_VAL)

        def zero_body(r, carry):
            for c in range(_EMBED // _L):
                out_a[r, pl.ds(c * _L, _L)] = zeros
                out_b[r, pl.ds(c * _L, _L)] = zeros
            return carry
        lax.fori_loop(0, _C, zero_body, 0)

        for i in range(_NV):
            col_a[pl.ds(i * _L, _L)] = zcols
            col_b[pl.ds(i * _L, _L)] = zcols

        def build(g, parity, out_v, col_v, sem):
            chunk = g * 2 + parity
            ebase = chunk * _C

            @pl.when(g > 0)
            def _wait_prev():
                prev = wbase + ebase - 2 * _C
                pltpu.make_async_copy(
                    out_v, out_hbm.at[pl.ds(prev, _C)], sem).wait()

            for i in range(_NV):
                a = angle_v[pl.ds(ebase + i * _L, _L)]
                t = (a - mn) * inv
                f = t - t.astype(jnp.int32).astype(jnp.float32)
                f = jnp.where(f < 0.0, f + 1.0, f)
                idx = jnp.minimum((f * jnp.float32(_EMBED)).astype(jnp.int32),
                                  _EMBED - 1)
                rows = lane + (i * _L)
                old = col_v[pl.ds(i * _L, _L)]
                plsc.store_scatter(out_v, [rows, old], zeros)
                plsc.store_scatter(out_v, [rows, idx], ones)
                col_v[pl.ds(i * _L, _L)] = idx

            pltpu.make_async_copy(
                out_v, out_hbm.at[pl.ds(wbase + ebase, _C)], sem).start()

        def loop_body(g, carry):
            build(g, 0, out_a, col_a, sem_a)
            build(g, 1, out_b, col_b, sem_b)
            return carry
        lax.fori_loop(0, _CHUNKS // 2, loop_body, 0)

        tail_a = wbase + (_CHUNKS - 2) * _C
        tail_b = wbase + (_CHUNKS - 1) * _C
        pltpu.make_async_copy(out_a, out_hbm.at[pl.ds(tail_a, _C)],
                              sem_a).wait()
        pltpu.make_async_copy(out_b, out_hbm.at[pl.ds(tail_b, _C)],
                              sem_b).wait()

    return k(angle_flat)


@jax.jit
def kernel(angle, identity):
    del identity
    out = _onehot_sc(angle.reshape(-1))
    return out.reshape(angle.shape[0], angle.shape[1], _EMBED)

# --- scband reference (transcript-rebuilt; emitter-appended) ---
"""Pipeline reference for scband-one-hot-encoding-80032420594025 (READ-ONLY COPY).

The authoritative reference and input builder live on the scoring server;
editing this copy changes nothing except your own understanding.
"""

import jax, jax.numpy as jnp
import numpy as np
import math

EMBED_DIM = 128
MIN_VAL = -math.pi
INTERVAL = 2.0 * math.pi


def setup_inputs(seed: int = 0) -> dict:
    key = jax.random.key(seed)
    k1, _ = jax.random.split(key)
    angle = jax.random.normal(k1, (4096, 200), dtype=jnp.float32)
    identity = jnp.eye(EMBED_DIM, dtype=jnp.float32)
    return {"angle": angle, "identity": identity}


def reference(angle, identity):
    # x_norm = (angle - min_val) % interval, then normalized to [0, 1)
    x_norm = jnp.mod(angle - MIN_VAL, INTERVAL)
    x_norm = x_norm / INTERVAL
    indices = (x_norm * EMBED_DIM).astype(jnp.int32)
    indices = jnp.clip(indices, 0, EMBED_DIM - 1)
    # one-hot lookup: gather rows of identity matrix
    output = jnp.take(identity, indices, axis=0)
    output = output.astype(angle.dtype)
    return output

if __name__ == "__main__":
    import jax
    _d = setup_inputs()
    print(jax.jit(kernel)(*tuple(_d.values())))

</pallas_src>

<mosaic_0001>
#map = affine_map<(d0, d1) -> (0)>
#map1 = affine_map<(d0, d1) -> (0, 0)>
module attributes {stable_mosaic.version = 14 : i64} {
  func.func @k(%arg0: i32, %arg1: i32, %arg2: memref<819200xf32, #tpu.memory_space<hbm>>, %arg3: memref<819200x128xf32, #tpu.memory_space<hbm>>, %arg4: memref<25600xf32, #tpu.memory_space<vmem>>, %arg5: memref<256x128xf32, #tpu.memory_space<vmem>>, %arg6: memref<256x128xf32, #tpu.memory_space<vmem>>, %arg7: memref<256xi32, #tpu.memory_space<vmem>>, %arg8: memref<256xi32, #tpu.memory_space<vmem>>, %arg9: memref<!tpu.dma_semaphore, #tpu.memory_space<semaphore_mem>>, %arg10: memref<!tpu.dma_semaphore, #tpu.memory_space<semaphore_mem>>) attributes {dimension_semantics = [#tpu.dimension_semantics<core_parallel>, #tpu.dimension_semantics<subcore_parallel>], iteration_bounds = array<i64: 2, 16>, scalar_prefetch = 0 : i64, scratch_operands = 7 : i64, tpu.core_type = #tpu.core_type<sc_vector_subcore>, window_params = [{transform_indices = #map}, {transform_indices = #map1}]} {
    %mul3A = arith.constant 2 : i32
    %mul3A_0 = arith.muli %arg1, %mul3A : i32
    %add3A = arith.addi %mul3A_0, %arg0 : i32
    %mul3A_1 = arith.constant 25600 : i32
    %mul3A_2 = arith.muli %add3A, %mul3A_1 : i32
    "tpu.region"() ({
      %run_scoped3A = tpu.sem_alloc : memref<!tpu.dma_semaphore, #tpu.memory_space<semaphore_mem>>
      %dma_start3A = tpu.memref_slice %arg2[%mul3A_2] : memref<819200xf32, #tpu.memory_space<hbm>> -> memref<25600xf32, #tpu.memory_space<hbm>>
      %dma_start3A_95 = tpu.memref_slice %arg2[%mul3A_2] : memref<819200xf32, #tpu.memory_space<hbm>> -> memref<25600xf32, #tpu.memory_space<hbm>>
      tpu.enqueue_dma source(%dma_start3A_95 : memref<25600xf32, #tpu.memory_space<hbm>>) target(%arg4 : memref<25600xf32, #tpu.memory_space<vmem>>) target_semaphore(%run_scoped3A : memref<!tpu.dma_semaphore, #tpu.memory_space<semaphore_mem>>)
      %dma_wait3A_96 = tpu.memref_slice %arg2[%mul3A_2] : memref<819200xf32, #tpu.memory_space<hbm>> -> memref<25600xf32, #tpu.memory_space<hbm>>
      %dma_wait3A_97 = tpu.memref_slice %arg2[%mul3A_2] : memref<819200xf32, #tpu.memory_space<hbm>> -> memref<25600xf32, #tpu.memory_space<hbm>>
      tpu.wait_dma2 semaphore(%run_scoped3A : memref<!tpu.dma_semaphore, #tpu.memory_space<semaphore_mem>>) src(%dma_wait3A_97 : memref<25600xf32, #tpu.memory_space<hbm>>) dst(%arg4 : memref<25600xf32, #tpu.memory_space<vmem>>)
      tpu.yield
    }) : () -> ()
    %iota3A = tpu.iota {dimensions = array<i32: 0>} : vector<16xi32>
    %broadcast_in_dim3A = arith.constant 0.000000e+00 : f32
    %broadcast_in_dim3A_3 = vector.broadcast %broadcast_in_dim3A : f32 to vector<16xf32>
    %broadcast_in_dim3A_4 = arith.constant 1.000000e+00 : f32
    %broadcast_in_dim3A_5 = vector.broadcast %broadcast_in_dim3A_4 : f32 to vector<16xf32>
    %broadcast_in_dim3A_6 = arith.constant 0 : i32
    %broadcast_in_dim3A_7 = vector.broadcast %broadcast_in_dim3A_6 : i32 to vector<16xi32>
    %scan3A = arith.constant 0 : i32
    %scan3A_8 = arith.constant 0 : i32
    %scan3A_9 = arith.constant 256 : i32
    %scan3A_10 = arith.addi %scan3A_8, %scan3A_9 : i32
    %scan3A_11 = arith.constant 1 : i32
    scf.for %scan3A_95 = %scan3A_8 to %scan3A_10 step %scan3A_11  : i32 {
      %swap3A_96 = arith.index_cast %scan3A_95 : i32 to index
      %swap3A_97 = arith.constant 0 : index
      %swap3A_98 = tpu.vector_load %arg5[%swap3A_96, %swap3A_97] {strides = array<i32>} : memref<256x128xf32, #tpu.memory_space<vmem>>, vector<16xf32>,
      tpu.vector_store %arg5[%swap3A_96, %swap3A_97], %broadcast_in_dim3A_3 {strides = array<i32>} : memref<256x128xf32, #tpu.memory_space<vmem>>, vector<16xf32>,
      %swap3A_99 = arith.index_cast %scan3A_95 : i32 to index
      %swap3A_100 = arith.constant 0 : index
      %swap3A_101 = tpu.vector_load %arg6[%swap3A_99, %swap3A_100] {strides = array<i32>} : memref<256x128xf32, #tpu.memory_space<vmem>>, vector<16xf32>,
      tpu.vector_store %arg6[%swap3A_99, %swap3A_100], %broadcast_in_dim3A_3 {strides = array<i32>} : memref<256x128xf32, #tpu.memory_space<vmem>>, vector<16xf32>,
      %swap3A_102 = arith.index_cast %scan3A_95 : i32 to index
      %swap3A_103 = arith.constant 16 : index
      %swap3A_104 = tpu.vector_load %arg5[%swap3A_102, %swap3A_103] {strides = array<i32>} : memref<256x128xf32, #tpu.memory_space<vmem>>, vector<16xf32>,
      tpu.vector_store %arg5[%swap3A_102, %swap3A_103], %broadcast_in_dim3A_3 {strides = array<i32>} : memref<256x128xf32, #tpu.memory_space<vmem>>, vector<16xf32>,
      %swap3A_105 = arith.index_cast %scan3A_95 : i32 to index
      %swap3A_106 = arith.constant 16 : index
      %swap3A_107 = tpu.vector_load %arg6[%swap3A_105, %swap3A_106] {strides = array<i32>} : memref<256x128xf32, #tpu.memory_space<vmem>>, vector<16xf32>,
      tpu.vector_store %arg6[%swap3A_105, %swap3A_106], %broadcast_in_dim3A_3 {strides = array<i32>} : memref<256x128xf32, #tpu.memory_space<vmem>>, vector<16xf32>,
      %swap3A_108 = arith.index_cast %scan3A_95 : i32 to index
      %swap3A_109 = arith.constant 32 : index
      %swap3A_110 = tpu.vector_load %arg5[%swap3A_108, %swap3A_109] {strides = array<i32>} : memref<256x128xf32, #tpu.memory_space<vmem>>, vector<16xf32>,
      tpu.vector_store %arg5[%swap3A_108, %swap3A_109], %broadcast_in_dim3A_3 {strides = array<i32>} : memref<256x128xf32, #tpu.memory_space<vmem>>, vector<16xf32>,
      %swap3A_111 = arith.index_cast %scan3A_95 : i32 to index
      %swap3A_112 = arith.constant 32 : index
      %swap3A_113 = tpu.vector_load %arg6[%swap3A_111, %swap3A_112] {strides = array<i32>} : memref<256x128xf32, #tpu.memory_space<vmem>>, vector<16xf32>,
      tpu.vector_store %arg6[%swap3A_111, %swap3A_112], %broadcast_in_dim3A_3 {strides = array<i32>} : memref<256x128xf32, #tpu.memory_space<vmem>>, vector<16xf32>,
      %swap3A_114 = arith.index_cast %scan3A_95 : i32 to index
      %swap3A_115 = arith.constant 48 : index
      %swap3A_116 = tpu.vector_load %arg5[%swap3A_114, %swap3A_115] {strides = array<i32>} : memref<256x128xf32, #tpu.memory_space<vmem>>, vector<16xf32>,
      tpu.vector_store %arg5[%swap3A_114, %swap3A_115], %broadcast_in_dim3A_3 {strides = array<i32>} : memref<256x128xf32, #tpu.memory_space<vmem>>, vector<16xf32>,
      %swap3A_117 = arith.index_cast %scan3A_95 : i32 to index
      %swap3A_118 = arith.constant 48 : index
      %swap3A_119 = tpu.vector_load %arg6[%swap3A_117, %swap3A_118] {strides = array<i32>} : memref<256x128xf32, #tpu.memory_space<vmem>>, vector<16xf32>,
      tpu.vector_store %arg6[%swap3A_117, %swap3A_118], %broadcast_in_dim3A_3 {strides = array<i32>} : memref<256x128xf32, #tpu.memory_space<vmem>>, vector<16xf32>,
      %swap3A_120 = arith.index_cast %scan3A_95 : i32 to index
      %swap3A_121 = arith.constant 64 : index
      %swap3A_122 = tpu.vector_load %arg5[%swap3A_120, %swap3A_121] {strides = array<i32>} : memref<256x128xf32, #tpu.memory_space<vmem>>, vector<16xf32>,
      tpu.vector_store %arg5[%swap3A_120, %swap3A_121], %broadcast_in_dim3A_3 {strides = array<i32>} : memref<256x128xf32, #tpu.memory_space<vmem>>, vector<16xf32>,
      %swap3A_123 = arith.index_cast %scan3A_95 : i32 to index
      %swap3A_124 = arith.constant 64 : index
      %swap3A_125 = tpu.vector_load %arg6[%swap3A_123, %swap3A_124] {strides = array<i32>} : memref<256x128xf32, #tpu.memory_space<vmem>>, vector<16xf32>,
      tpu.vector_store %arg6[%swap3A_123, %swap3A_124], %broadcast_in_dim3A_3 {strides = array<i32>} : memref<256x128xf32, #tpu.memory_space<vmem>>, vector<16xf32>,
      %swap3A_126 = arith.index_cast %scan3A_95 : i32 to index
      %swap3A_127 = arith.constant 80 : index
      %swap3A_128 = tpu.vector_load %arg5[%swap3A_126, %swap3A_127] {strides = array<i32>} : memref<256x128xf32, #tpu.memory_space<vmem>>, vector<16xf32>,
      tpu.vector_store %arg5[%swap3A_126, %swap3A_127], %broadcast_in_dim3A_3 {strides = array<i32>} : memref<256x128xf32, #tpu.memory_space<vmem>>, vector<16xf32>,
      %swap3A_129 = arith.index_cast %scan3A_95 : i32 to index
      %swap3A_130 = arith.constant 80 : index
      %swap3A_131 = tpu.vector_load %arg6[%swap3A_129, %swap3A_130] {strides = array<i32>} : memref<256x128xf32, #tpu.memory_space<vmem>>, vector<16xf32>,
      tpu.vector_store %arg6[%swap3A_129, %swap3A_130], %broadcast_in_dim3A_3 {strides = array<i32>} : memref<256x128xf32, #tpu.memory_space<vmem>>, vector<16xf32>,
      %swap3A_132 = arith.index_cast %scan3A_95 : i32 to index
      %swap3A_133 = arith.constant 96 : index
      %swap3A_134 = tpu.vector_load %arg5[%swap3A_132, %swap3A_133] {strides = array<i32>} : memref<256x128xf32, #tpu.memory_space<vmem>>, vector<16xf32>,
      tpu.vector_store %arg5[%swap3A_132, %swap3A_133], %broadcast_in_dim3A_3 {strides = array<i32>} : memref<256x128xf32, #tpu.memory_space<vmem>>, vector<16xf32>,
      %swap3A_135 = arith.index_cast %scan3A_95 : i32 to index
      %swap3A_136 = arith.constant 96 : index
      %swap3A_137 = tpu.vector_load %arg6[%swap3A_135, %swap3A_136] {strides = array<i32>} : memref<256x128xf32, #tpu.memory_space<vmem>>, vector<16xf32>,
      tpu.vector_store %arg6[%swap3A_135, %swap3A_136], %broadcast_in_dim3A_3 {strides = array<i32>} : memref<256x128xf32, #tpu.memory_space<vmem>>, vector<16xf32>,
      %swap3A_138 = arith.index_cast %scan3A_95 : i32 to index
      %swap3A_139 = arith.constant 112 : index
      %swap3A_140 = tpu.vector_load %arg5[%swap3A_138, %swap3A_139] {strides = array<i32>} : memref<256x128xf32, #tpu.memory_space<vmem>>, vector<16xf32>,
      tpu.vector_store %arg5[%swap3A_138, %swap3A_139], %broadcast_in_dim3A_3 {strides = array<i32>} : memref<256x128xf32, #tpu.memory_space<vmem>>, vector<16xf32>,
      %swap3A_141 = arith.index_cast %scan3A_95 : i32 to index
      %swap3A_142 = arith.constant 112 : index
      %swap3A_143 = tpu.vector_load %arg6[%swap3A_141, %swap3A_142] {strides = array<i32>} : memref<256x128xf32, #tpu.memory_space<vmem>>, vector<16xf32>,
      tpu.vector_store %arg6[%swap3A_141, %swap3A_142], %broadcast_in_dim3A_3 {strides = array<i32>} : memref<256x128xf32, #tpu.memory_space<vmem>>, vector<16xf32>,
    }
    %scan3A_12 = arith.constant 256 : i32
    %swap3A = arith.constant 0 : index
    %swap3A_13 = tpu.vector_load %arg7[%swap3A] {strides = array<i32>} : memref<256xi32, #tpu.memory_space<vmem>>, vector<16xi32>,
    tpu.vector_store %arg7[%swap3A], %broadcast_in_dim3A_7 {strides = array<i32>} : memref<256xi32, #tpu.memory_space<vmem>>, vector<16xi32>,
    %swap3A_14 = arith.constant 0 : index
    %swap3A_15 = tpu.vector_load %arg8[%swap3A_14] {strides = array<i32>} : memref<256xi32, #tpu.memory_space<vmem>>, vector<16xi32>,
    tpu.vector_store %arg8[%swap3A_14], %broadcast_in_dim3A_7 {strides = array<i32>} : memref<256xi32, #tpu.memory_space<vmem>>, vector<16xi32>,
    %swap3A_16 = arith.constant 16 : index
    %swap3A_17 = tpu.vector_load %arg7[%swap3A_16] {strides = array<i32>} : memref<256xi32, #tpu.memory_space<vmem>>, vector<16xi32>,
    tpu.vector_store %arg7[%swap3A_16], %broadcast_in_dim3A_7 {strides = array<i32>} : memref<256xi32, #tpu.memory_space<vmem>>, vector<16xi32>,
    %swap3A_18 = arith.constant 16 : index
    %swap3A_19 = tpu.vector_load %arg8[%swap3A_18] {strides = array<i32>} : memref<256xi32, #tpu.memory_space<vmem>>, vector<16xi32>,
    tpu.vector_store %arg8[%swap3A_18], %broadcast_in_dim3A_7 {strides = array<i32>} : memref<256xi32, #tpu.memory_space<vmem>>, vector<16xi32>,
    %swap3A_20 = arith.constant 32 : index
    %swap3A_21 = tpu.vector_load %arg7[%swap3A_20] {strides = array<i32>} : memref<256xi32, #tpu.memory_space<vmem>>, vector<16xi32>,
    tpu.vector_store %arg7[%swap3A_20], %broadcast_in_dim3A_7 {strides = array<i32>} : memref<256xi32, #tpu.memory_space<vmem>>, vector<16xi32>,
    %swap3A_22 = arith.constant 32 : index
    %swap3A_23 = tpu.vector_load %arg8[%swap3A_22] {strides = array<i32>} : memref<256xi32, #tpu.memory_space<vmem>>, vector<16xi32>,
    tpu.vector_store %arg8[%swap3A_22], %broadcast_in_dim3A_7 {strides = array<i32>} : memref<256xi32, #tpu.memory_space<vmem>>, vector<16xi32>,
    %swap3A_24 = arith.constant 48 : index
    %swap3A_25 = tpu.vector_load %arg7[%swap3A_24] {strides = array<i32>} : memref<256xi32, #tpu.memory_space<vmem>>, vector<16xi32>,
    tpu.vector_store %arg7[%swap3A_24], %broadcast_in_dim3A_7 {strides = array<i32>} : memref<256xi32, #tpu.memory_space<vmem>>, vector<16xi32>,
    %swap3A_26 = arith.constant 48 : index
    %swap3A_27 = tpu.vector_load %arg8[%swap3A_26] {strides = array<i32>} : memref<256xi32, #tpu.memory_space<vmem>>, vector<16xi32>,
    tpu.vector_store %arg8[%swap3A_26], %broadcast_in_dim3A_7 {strides = array<i32>} : memref<256xi32, #tpu.memory_space<vmem>>, vector<16xi32>,
    %swap3A_28 = arith.constant 64 : index
    %swap3A_29 = tpu.vector_load %arg7[%swap3A_28] {strides = array<i32>} : memref<256xi32, #tpu.memory_space<vmem>>, vector<16xi32>,
    tpu.vector_store %arg7[%swap3A_28], %broadcast_in_dim3A_7 {strides = array<i32>} : memref<256xi32, #tpu.memory_space<vmem>>, vector<16xi32>,
    %swap3A_30 = arith.constant 64 : index
    %swap3A_31 = tpu.vector_load %arg8[%swap3A_30] {strides = array<i32>} : memref<256xi32, #tpu.memory_space<vmem>>, vector<16xi32>,
    tpu.vector_store %arg8[%swap3A_30], %broadcast_in_dim3A_7 {strides = array<i32>} : memref<256xi32, #tpu.memory_space<vmem>>, vector<16xi32>,
    %swap3A_32 = arith.constant 80 : index
    %swap3A_33 = tpu.vector_load %arg7[%swap3A_32] {strides = array<i32>} : memref<256xi32, #tpu.memory_space<vmem>>, vector<16xi32>,
    tpu.vector_store %arg7[%swap3A_32], %broadcast_in_dim3A_7 {strides = array<i32>} : memref<256xi32, #tpu.memory_space<vmem>>, vector<16xi32>,
    %swap3A_34 = arith.constant 80 : index
    %swap3A_35 = tpu.vector_load %arg8[%swap3A_34] {strides = array<i32>} : memref<256xi32, #tpu.memory_space<vmem>>, vector<16xi32>,
    tpu.vector_store %arg8[%swap3A_34], %broadcast_in_dim3A_7 {strides = array<i32>} : memref<256xi32, #tpu.memory_space<vmem>>, vector<16xi32>,
    %swap3A_36 = arith.constant 96 : index
    %swap3A_37 = tpu.vector_load %arg7[%swap3A_36] {strides = array<i32>} : memref<256xi32, #tpu.memory_space<vmem>>, vector<16xi32>,
    tpu.vector_store %arg7[%swap3A_36], %broadcast_in_dim3A_7 {strides = array<i32>} : memref<256xi32, #tpu.memory_space<vmem>>, vector<16xi32>,
    %swap3A_38 = arith.constant 96 : index
    %swap3A_39 = tpu.vector_load %arg8[%swap3A_38] {strides = array<i32>} : memref<256xi32, #tpu.memory_space<vmem>>, vector<16xi32>,
    tpu.vector_store %arg8[%swap3A_38], %broadcast_in_dim3A_7 {strides = array<i32>} : memref<256xi32, #tpu.memory_space<vmem>>, vector<16xi32>,
    %swap3A_40 = arith.constant 112 : index
    %swap3A_41 = tpu.vector_load %arg7[%swap3A_40] {strides = array<i32>} : memref<256xi32, #tpu.memory_space<vmem>>, vector<16xi32>,
    tpu.vector_store %arg7[%swap3A_40], %broadcast_in_dim3A_7 {strides = array<i32>} : memref<256xi32, #tpu.memory_space<vmem>>, vector<16xi32>,
    %swap3A_42 = arith.constant 112 : index
    %swap3A_43 = tpu.vector_load %arg8[%swap3A_42] {strides = array<i32>} : memref<256xi32, #tpu.memory_space<vmem>>, vector<16xi32>,
    tpu.vector_store %arg8[%swap3A_42], %broadcast_in_dim3A_7 {strides = array<i32>} : memref<256xi32, #tpu.memory_space<vmem>>, vector<16xi32>,
    %swap3A_44 = arith.constant 128 : index
    %swap3A_45 = tpu.vector_load %arg7[%swap3A_44] {strides = array<i32>} : memref<256xi32, #tpu.memory_space<vmem>>, vector<16xi32>,
    tpu.vector_store %arg7[%swap3A_44], %broadcast_in_dim3A_7 {strides = array<i32>} : memref<256xi32, #tpu.memory_space<vmem>>, vector<16xi32>,
    %swap3A_46 = arith.constant 128 : index
    %swap3A_47 = tpu.vector_load %arg8[%swap3A_46] {strides = array<i32>} : memref<256xi32, #tpu.memory_space<vmem>>, vector<16xi32>,
    tpu.vector_store %arg8[%swap3A_46], %broadcast_in_dim3A_7 {strides = array<i32>} : memref<256xi32, #tpu.memory_space<vmem>>, vector<16xi32>,
    %swap3A_48 = arith.constant 144 : index
    %swap3A_49 = tpu.vector_load %arg7[%swap3A_48] {strides = array<i32>} : memref<256xi32, #tpu.memory_space<vmem>>, vector<16xi32>,
    tpu.vector_store %arg7[%swap3A_48], %broadcast_in_dim3A_7 {strides = array<i32>} : memref<256xi32, #tpu.memory_space<vmem>>, vector<16xi32>,
    %swap3A_50 = arith.constant 144 : index
    %swap3A_51 = tpu.vector_load %arg8[%swap3A_50] {strides = array<i32>} : memref<256xi32, #tpu.memory_space<vmem>>, vector<16xi32>,
    tpu.vector_store %arg8[%swap3A_50], %broadcast_in_dim3A_7 {strides = array<i32>} : memref<256xi32, #tpu.memory_space<vmem>>, vector<16xi32>,
    %swap3A_52 = arith.constant 160 : index
    %swap3A_53 = tpu.vector_load %arg7[%swap3A_52] {strides = array<i32>} : memref<256xi32, #tpu.memory_space<vmem>>, vector<16xi32>,
    tpu.vector_store %arg7[%swap3A_52], %broadcast_in_dim3A_7 {strides = array<i32>} : memref<256xi32, #tpu.memory_space<vmem>>, vector<16xi32>,
    %swap3A_54 = arith.constant 160 : index
    %swap3A_55 = tpu.vector_load %arg8[%swap3A_54] {strides = array<i32>} : memref<256xi32, #tpu.memory_space<vmem>>, vector<16xi32>,
    tpu.vector_store %arg8[%swap3A_54], %broadcast_in_dim3A_7 {strides = array<i32>} : memref<256xi32, #tpu.memory_space<vmem>>, vector<16xi32>,
    %swap3A_56 = arith.constant 176 : index
    %swap3A_57 = tpu.vector_load %arg7[%swap3A_56] {strides = array<i32>} : memref<256xi32, #tpu.memory_space<vmem>>, vector<16xi32>,
    tpu.vector_store %arg7[%swap3A_56], %broadcast_in_dim3A_7 {strides = array<i32>} : memref<256xi32, #tpu.memory_space<vmem>>, vector<16xi32>,
    %swap3A_58 = arith.constant 176 : index
    %swap3A_59 = tpu.vector_load %arg8[%swap3A_58] {strides = array<i32>} : memref<256xi32, #tpu.memory_space<vmem>>, vector<16xi32>,
    tpu.vector_store %arg8[%swap3A_58], %broadcast_in_dim3A_7 {strides = array<i32>} : memref<256xi32, #tpu.memory_space<vmem>>, vector<16xi32>,
    %swap3A_60 = arith.constant 192 : index
    %swap3A_61 = tpu.vector_load %arg7[%swap3A_60] {strides = array<i32>} : memref<256xi32, #tpu.memory_space<vmem>>, vector<16xi32>,
    tpu.vector_store %arg7[%swap3A_60], %broadcast_in_dim3A_7 {strides = array<i32>} : memref<256xi32, #tpu.memory_space<vmem>>, vector<16xi32>,
    %swap3A_62 = arith.constant 192 : index
    %swap3A_63 = tpu.vector_load %arg8[%swap3A_62] {strides = array<i32>} : memref<256xi32, #tpu.memory_space<vmem>>, vector<16xi32>,
    tpu.vector_store %arg8[%swap3A_62], %broadcast_in_dim3A_7 {strides = array<i32>} : memref<256xi32, #tpu.memory_space<vmem>>, vector<16xi32>,
    %swap3A_64 = arith.constant 208 : index
    %swap3A_65 = tpu.vector_load %arg7[%swap3A_64] {strides = array<i32>} : memref<256xi32, #tpu.memory_space<vmem>>, vector<16xi32>,
    tpu.vector_store %arg7[%swap3A_64], %broadcast_in_dim3A_7 {strides = array<i32>} : memref<256xi32, #tpu.memory_space<vmem>>, vector<16xi32>,
    %swap3A_66 = arith.constant 208 : index
    %swap3A_67 = tpu.vector_load %arg8[%swap3A_66] {strides = array<i32>} : memref<256xi32, #tpu.memory_space<vmem>>, vector<16xi32>,
    tpu.vector_store %arg8[%swap3A_66], %broadcast_in_dim3A_7 {strides = array<i32>} : memref<256xi32, #tpu.memory_space<vmem>>, vector<16xi32>,
    %swap3A_68 = arith.constant 224 : index
    %swap3A_69 = tpu.vector_load %arg7[%swap3A_68] {strides = array<i32>} : memref<256xi32, #tpu.memory_space<vmem>>, vector<16xi32>,
    tpu.vector_store %arg7[%swap3A_68], %broadcast_in_dim3A_7 {strides = array<i32>} : memref<256xi32, #tpu.memory_space<vmem>>, vector<16xi32>,
    %swap3A_70 = arith.constant 224 : index
    %swap3A_71 = tpu.vector_load %arg8[%swap3A_70] {strides = array<i32>} : memref<256xi32, #tpu.memory_space<vmem>>, vector<16xi32>,
    tpu.vector_store %arg8[%swap3A_70], %broadcast_in_dim3A_7 {strides = array<i32>} : memref<256xi32, #tpu.memory_space<vmem>>, vector<16xi32>,
    %swap3A_72 = arith.constant 240 : index
    %swap3A_73 = tpu.vector_load %arg7[%swap3A_72] {strides = array<i32>} : memref<256xi32, #tpu.memory_space<vmem>>, vector<16xi32>,
    tpu.vector_store %arg7[%swap3A_72], %broadcast_in_dim3A_7 {strides = array<i32>} : memref<256xi32, #tpu.memory_space<vmem>>, vector<16xi32>,
    %swap3A_74 = arith.constant 240 : index
    %swap3A_75 = tpu.vector_load %arg8[%swap3A_74] {strides = array<i32>} : memref<256xi32, #tpu.memory_space<vmem>>, vector<16xi32>,
    tpu.vector_store %arg8[%swap3A_74], %broadcast_in_dim3A_7 {strides = array<i32>} : memref<256xi32, #tpu.memory_space<vmem>>, vector<16xi32>,
    %scan3A_76 = arith.constant 0 : i32
    %scan3A_77 = arith.constant -3.14159274 : f32
    %scan3A_78 = arith.constant 0.159154937 : f32
    %scan3A_79 = arith.constant 0 : i32
    %scan3A_80 = arith.constant 50 : i32
    %scan3A_81 = arith.addi %scan3A_79, %scan3A_80 : i32
    %scan3A_82 = arith.constant 1 : i32
    scf.for %scan3A_95 = %scan3A_79 to %scan3A_81 step %scan3A_82  : i32 {
      %mul3A_96 = arith.constant 2 : i32
      %mul3A_97 = arith.muli %scan3A_95, %mul3A_96 : i32
      %add3A_98 = arith.constant 0 : i32
      %add3A_99 = arith.addi %mul3A_97, %add3A_98 : i32
      %mul3A_100 = arith.constant 256 : i32
      %mul3A_101 = arith.muli %add3A_99, %mul3A_100 : i32
      %gt3A = arith.constant 0 : i32
      %gt3A_102 = arith.cmpi sgt, %scan3A_95, %gt3A : i32
      %convert_element_type3A = arith.extui %gt3A_102 : i1 to i32
      %cond3A = arith.constant 0 : i32
      %cond3A_103 = arith.cmpi ne, %convert_element_type3A, %cond3A : i32
      scf.if %cond3A_103 {
        %add3A_1143 = arith.addi %mul3A_2, %mul3A_101 : i32
        %sub3A_1144 = arith.constant 512 : i32
        %sub3A_1145 = arith.subi %add3A_1143, %sub3A_1144 : i32
        %dma_wait3A_1146 = arith.constant 0 : i32
        %dma_wait3A_1147 = tpu.memref_slice %arg3[%sub3A_1145, %dma_wait3A_1146] : memref<819200x128xf32, #tpu.memory_space<hbm>> -> memref<256x128xf32, #tpu.memory_space<hbm>>
        %dma_wait3A_1148 = arith.constant 0 : i32
        %dma_wait3A_1149 = tpu.memref_slice %arg3[%sub3A_1145, %dma_wait3A_1148] : memref<819200x128xf32, #tpu.memory_space<hbm>> -> memref<256x128xf32, #tpu.memory_space<hbm>>
        tpu.wait_dma2 semaphore(%arg9 : memref<!tpu.dma_semaphore, #tpu.memory_space<semaphore_mem>>) src(%arg5 : memref<256x128xf32, #tpu.memory_space<vmem>>) dst(%dma_wait3A_1149 : memref<256x128xf32, #tpu.memory_space<hbm>>)
      } else {
      }
      %add3A_104 = arith.constant 0 : i32
      %add3A_105 = arith.addi %mul3A_101, %add3A_104 : i32
      %get3A = arith.index_cast %add3A_105 : i32 to index
      %get3A_106 = tpu.vector_load %arg4[%get3A] {strides = array<i32>} : memref<25600xf32, #tpu.memory_space<vmem>>, vector<16xf32>,
      %sub3A = vector.broadcast %scan3A_77 : f32 to vector<16xf32>
      %sub3A_107 = arith.subf %get3A_106, %sub3A : vector<16xf32>
      %mul3A_108 = vector.broadcast %scan3A_78 : f32 to vector<16xf32>
      %mul3A_109 = arith.mulf %sub3A_107, %mul3A_108 : vector<16xf32>
      %convert_element_type3A_110 = arith.fptosi %mul3A_109 : vector<16xf32> to vector<16xi32>
      %convert_element_type3A_111 = arith.sitofp %convert_element_type3A_110 : vector<16xi32> to vector<16xf32>
      %sub3A_112 = arith.subf %mul3A_109, %convert_element_type3A_111 : vector<16xf32>
      %lt3A = arith.constant 0.000000e+00 : f32
      %lt3A_113 = vector.broadcast %lt3A : f32 to vector<16xf32>
      %lt3A_114 = arith.cmpf olt, %sub3A_112, %lt3A_113 : vector<16xf32>
      %add3A_115 = arith.constant 1.000000e+00 : f32
      %add3A_116 = vector.broadcast %add3A_115 : f32 to vector<16xf32>
      %add3A_117 = arith.addf %sub3A_112, %add3A_116 : vector<16xf32>
      %select_n3A = arith.select %lt3A_114, %add3A_117, %sub3A_112 : vector<16xi1>, vector<16xf32>
      %mul3A_118 = arith.constant 1.280000e+02 : f32
      %mul3A_119 = vector.broadcast %mul3A_118 : f32 to vector<16xf32>
      %mul3A_120 = arith.mulf %select_n3A, %mul3A_119 : vector<16xf32>
      %convert_element_type3A_121 = arith.fptosi %mul3A_120 : vector<16xf32> to vector<16xi32>
      %min3A = arith.constant 127 : i32
      %min3A_122 = vector.broadcast %min3A : i32 to vector<16xi32>
      %min3A_123 = arith.minsi %convert_element_type3A_121, %min3A_122 : vector<16xi32>
      %add3A_124 = arith.constant 0 : i32
      %add3A_125 = vector.broadcast %add3A_124 : i32 to vector<16xi32>
      %add3A_126 = arith.addi %iota3A, %add3A_125 : vector<16xi32>
      %get3A_127 = arith.constant 0 : index
      %get3A_128 = tpu.vector_load %arg7[%get3A_127] {strides = array<i32>} : memref<256xi32, #tpu.memory_space<vmem>>, vector<16xi32>,
      tpu.vector_store_idx %arg5[%add3A_126, %get3A_128], %broadcast_in_dim3A_3 : memref<256x128xf32, #tpu.memory_space<vmem>>[vector<16xi32>, vector<16xi32>], vector<16xf32>,
      tpu.vector_store_idx %arg5[%add3A_126, %min3A_123], %broadcast_in_dim3A_5 : memref<256x128xf32, #tpu.memory_space<vmem>>[vector<16xi32>, vector<16xi32>], vector<16xf32>,
      %swap3A_129 = arith.constant 0 : index
      %swap3A_130 = tpu.vector_load %arg7[%swap3A_129] {strides = array<i32>} : memref<256xi32, #tpu.memory_space<vmem>>, vector<16xi32>,
      tpu.vector_store %arg7[%swap3A_129], %min3A_123 {strides = array<i32>} : memref<256xi32, #tpu.memory_space<vmem>>, vector<16xi32>,
      %add3A_131 = arith.constant 16 : i32
      %add3A_132 = arith.addi %mul3A_101, %add3A_131 : i32
      %get3A_133 = arith.index_cast %add3A_132 : i32 to index
      %get3A_134 = tpu.vector_load %arg4[%get3A_133] {strides = array<i32>} : memref<25600xf32, #tpu.memory_space<vmem>>, vector<16xf32>,
      %sub3A_135 = vector.broadcast %scan3A_77 : f32 to vector<16xf32>
      %sub3A_136 = arith.subf %get3A_134, %sub3A_135 : vector<16xf32>
      %mul3A_137 = vector.broadcast %scan3A_78 : f32 to vector<16xf32>
      %mul3A_138 = arith.mulf %sub3A_136, %mul3A_137 : vector<16xf32>
      %convert_element_type3A_139 = arith.fptosi %mul3A_138 : vector<16xf32> to vector<16xi32>
      %convert_element_type3A_140 = arith.sitofp %convert_element_type3A_139 : vector<16xi32> to vector<16xf32>
      %sub3A_141 = arith.subf %mul3A_138, %convert_element_type3A_140 : vector<16xf32>
      %lt3A_142 = arith.constant 0.000000e+00 : f32
      %lt3A_143 = vector.broadcast %lt3A_142 : f32 to vector<16xf32>
      %lt3A_144 = arith.cmpf olt, %sub3A_141, %lt3A_143 : vector<16xf32>
      %add3A_145 = arith.constant 1.000000e+00 : f32
      %add3A_146 = vector.broadcast %add3A_145 : f32 to vector<16xf32>
      %add3A_147 = arith.addf %sub3A_141, %add3A_146 : vector<16xf32>
      %select_n3A_148 = arith.select %lt3A_144, %add3A_147, %sub3A_141 : vector<16xi1>, vector<16xf32>
      %mul3A_149 = arith.constant 1.280000e+02 : f32
      %mul3A_150 = vector.broadcast %mul3A_149 : f32 to vector<16xf32>
      %mul3A_151 = arith.mulf %select_n3A_148, %mul3A_150 : vector<16xf32>
      %convert_element_type3A_152 = arith.fptosi %mul3A_151 : vector<16xf32> to vector<16xi32>
      %min3A_153 = arith.constant 127 : i32
      %min3A_154 = vector.broadcast %min3A_153 : i32 to vector<16xi32>
      %min3A_155 = arith.minsi %convert_element_type3A_152, %min3A_154 : vector<16xi32>
      %add3A_156 = arith.constant 16 : i32
      %add3A_157 = vector.broadcast %add3A_156 : i32 to vector<16xi32>
      %add3A_158 = arith.addi %iota3A, %add3A_157 : vector<16xi32>
      %get3A_159 = arith.constant 16 : index
      %get3A_160 = tpu.vector_load %arg7[%get3A_159] {strides = array<i32>} : memref<256xi32, #tpu.memory_space<vmem>>, vector<16xi32>,
      tpu.vector_store_idx %arg5[%add3A_158, %get3A_160], %broadcast_in_dim3A_3 : memref<256x128xf32, #tpu.memory_space<vmem>>[vector<16xi32>, vector<16xi32>], vector<16xf32>,
      tpu.vector_store_idx %arg5[%add3A_158, %min3A_155], %broadcast_in_dim3A_5 : memref<256x128xf32, #tpu.memory_space<vmem>>[vector<16xi32>, vector<16xi32>], vector<16xf32>,
      %swap3A_161 = arith.constant 16 : index
      %swap3A_162 = tpu.vector_load %arg7[%swap3A_161] {strides = array<i32>} : memref<256xi32, #tpu.memory_space<vmem>>, vector<16xi32>,
      tpu.vector_store %arg7[%swap3A_161], %min3A_155 {strides = array<i32>} : memref<256xi32, #tpu.memory_space<vmem>>, vector<16xi32>,
      %add3A_163 = arith.constant 32 : i32
      %add3A_164 = arith.addi %mul3A_101, %add3A_163 : i32
      %get3A_165 = arith.index_cast %add3A_164 : i32 to index
      %get3A_166 = tpu.vector_load %arg4[%get3A_165] {strides = array<i32>} : memref<25600xf32, #tpu.memory_space<vmem>>, vector<16xf32>,
      %sub3A_167 = vector.broadcast %scan3A_77 : f32 to vector<16xf32>
      %sub3A_168 = arith.subf %get3A_166, %sub3A_167 : vector<16xf32>
      %mul3A_169 = vector.broadcast %scan3A_78 : f32 to vector<16xf32>
      %mul3A_170 = arith.mulf %sub3A_168, %mul3A_169 : vector<16xf32>
      %convert_element_type3A_171 = arith.fptosi %mul3A_170 : vector<16xf32> to vector<16xi32>
      %convert_element_type3A_172 = arith.sitofp %convert_element_type3A_171 : vector<16xi32> to vector<16xf32>
      %sub3A_173 = arith.subf %mul3A_170, %convert_element_type3A_172 : vector<16xf32>
      %lt3A_174 = arith.constant 0.000000e+00 : f32
      %lt3A_175 = vector.broadcast %lt3A_174 : f32 to vector<16xf32>
      %lt3A_176 = arith.cmpf olt, %sub3A_173, %lt3A_175 : vector<16xf32>
      %add3A_177 = arith.constant 1.000000e+00 : f32
      %add3A_178 = vector.broadcast %add3A_177 : f32 to vector<16xf32>
      %add3A_179 = arith.addf %sub3A_173, %add3A_178 : vector<16xf32>
      %select_n3A_180 = arith.select %lt3A_176, %add3A_179, %sub3A_173 : vector<16xi1>, vector<16xf32>
      %mul3A_181 = arith.constant 1.280000e+02 : f32
      %mul3A_182 = vector.broadcast %mul3A_181 : f32 to vector<16xf32>
      %mul3A_183 = arith.mulf %select_n3A_180, %mul3A_182 : vector<16xf32>
      %convert_element_type3A_184 = arith.fptosi %mul3A_183 : vector<16xf32> to vector<16xi32>
      %min3A_185 = arith.constant 127 : i32
      %min3A_186 = vector.broadcast %min3A_185 : i32 to vector<16xi32>
      %min3A_187 = arith.minsi %convert_element_type3A_184, %min3A_186 : vector<16xi32>
      %add3A_188 = arith.constant 32 : i32
      %add3A_189 = vector.broadcast %add3A_188 : i32 to vector<16xi32>
      %add3A_190 = arith.addi %iota3A, %add3A_189 : vector<16xi32>
      %get3A_191 = arith.constant 32 : index
      %get3A_192 = tpu.vector_load %arg7[%get3A_191] {strides = array<i32>} : memref<256xi32, #tpu.memory_space<vmem>>, vector<16xi32>,
      tpu.vector_store_idx %arg5[%add3A_190, %get3A_192], %broadcast_in_dim3A_3 : memref<256x128xf32, #tpu.memory_space<vmem>>[vector<16xi32>, vector<16xi32>], vector<16xf32>,
      tpu.vector_store_idx %arg5[%add3A_190, %min3A_187], %broadcast_in_dim3A_5 : memref<256x128xf32, #tpu.memory_space<vmem>>[vector<16xi32>, vector<16xi32>], vector<16xf32>,
      %swap3A_193 = arith.constant 32 : index
      %swap3A_194 = tpu.vector_load %arg7[%swap3A_193] {strides = array<i32>} : memref<256xi32, #tpu.memory_space<vmem>>, vector<16xi32>,
      tpu.vector_store %arg7[%swap3A_193], %min3A_187 {strides = array<i32>} : memref<256xi32, #tpu.memory_space<vmem>>, vector<16xi32>,
      %add3A_195 = arith.constant 48 : i32
      %add3A_196 = arith.addi %mul3A_101, %add3A_195 : i32
      %get3A_197 = arith.index_cast %add3A_196 : i32 to index
      %get3A_198 = tpu.vector_load %arg4[%get3A_197] {strides = array<i32>} : memref<25600xf32, #tpu.memory_space<vmem>>, vector<16xf32>,
      %sub3A_199 = vector.broadcast %scan3A_77 : f32 to vector<16xf32>
      %sub3A_200 = arith.subf %get3A_198, %sub3A_199 : vector<16xf32>
      %mul3A_201 = vector.broadcast %scan3A_78 : f32 to vector<16xf32>
      %mul3A_202 = arith.mulf %sub3A_200, %mul3A_201 : vector<16xf32>
      %convert_element_type3A_203 = arith.fptosi %mul3A_202 : vector<16xf32> to vector<16xi32>
      %convert_element_type3A_204 = arith.sitofp %convert_element_type3A_203 : vector<16xi32> to vector<16xf32>
      %sub3A_205 = arith.subf %mul3A_202, %convert_element_type3A_204 : vector<16xf32>
      %lt3A_206 = arith.constant 0.000000e+00 : f32
      %lt3A_207 = vector.broadcast %lt3A_206 : f32 to vector<16xf32>
      %lt3A_208 = arith.cmpf olt, %sub3A_205, %lt3A_207 : vector<16xf32>
      %add3A_209 = arith.constant 1.000000e+00 : f32
      %add3A_210 = vector.broadcast %add3A_209 : f32 to vector<16xf32>
      %add3A_211 = arith.addf %sub3A_205, %add3A_210 : vector<16xf32>
      %select_n3A_212 = arith.select %lt3A_208, %add3A_211, %sub3A_205 : vector<16xi1>, vector<16xf32>
      %mul3A_213 = arith.constant 1.280000e+02 : f32
      %mul3A_214 = vector.broadcast %mul3A_213 : f32 to vector<16xf32>
      %mul3A_215 = arith.mulf %select_n3A_212, %mul3A_214 : vector<16xf32>
      %convert_element_type3A_216 = arith.fptosi %mul3A_215 : vector<16xf32> to vector<16xi32>
      %min3A_217 = arith.constant 127 : i32
      %min3A_218 = vector.broadcast %min3A_217 : i32 to vector<16xi32>
      %min3A_219 = arith.minsi %convert_element_type3A_216, %min3A_218 : vector<16xi32>
      %add3A_220 = arith.constant 48 : i32
      %add3A_221 = vector.broadcast %add3A_220 : i32 to vector<16xi32>
      %add3A_222 = arith.addi %iota3A, %add3A_221 : vector<16xi32>
      %get3A_223 = arith.constant 48 : index
      %get3A_224 = tpu.vector_load %arg7[%get3A_223] {strides = array<i32>} : memref<256xi32, #tpu.memory_space<vmem>>, vector<16xi32>,
      tpu.vector_store_idx %arg5[%add3A_222, %get3A_224], %broadcast_in_dim3A_3 : memref<256x128xf32, #tpu.memory_space<vmem>>[vector<16xi32>, vector<16xi32>], vector<16xf32>,
      tpu.vector_store_idx %arg5[%add3A_222, %min3A_219], %broadcast_in_dim3A_5 : memref<256x128xf32, #tpu.memory_space<vmem>>[vector<16xi32>, vector<16xi32>], vector<16xf32>,
      %swap3A_225 = arith.constant 48 : index
      %swap3A_226 = tpu.vector_load %arg7[%swap3A_225] {strides = array<i32>} : memref<256xi32, #tpu.memory_space<vmem>>, vector<16xi32>,
      tpu.vector_store %arg7[%swap3A_225], %min3A_219 {strides = array<i32>} : memref<256xi32, #tpu.memory_space<vmem>>, vector<16xi32>,
      %add3A_227 = arith.constant 64 : i32
      %add3A_228 = arith.addi %mul3A_101, %add3A_227 : i32
      %get3A_229 = arith.index_cast %add3A_228 : i32 to index
      %get3A_230 = tpu.vector_load %arg4[%get3A_229] {strides = array<i32>} : memref<25600xf32, #tpu.memory_space<vmem>>, vector<16xf32>,
      %sub3A_231 = vector.broadcast %scan3A_77 : f32 to vector<16xf32>
      %sub3A_232 = arith.subf %get3A_230, %sub3A_231 : vector<16xf32>
      %mul3A_233 = vector.broadcast %scan3A_78 : f32 to vector<16xf32>
      %mul3A_234 = arith.mulf %sub3A_232, %mul3A_233 : vector<16xf32>
      %convert_element_type3A_235 = arith.fptosi %mul3A_234 : vector<16xf32> to vector<16xi32>
      %convert_element_type3A_236 = arith.sitofp %convert_element_type3A_235 : vector<16xi32> to vector<16xf32>
      %sub3A_237 = arith.subf %mul3A_234, %convert_element_type3A_236 : vector<16xf32>
      %lt3A_238 = arith.constant 0.000000e+00 : f32
      %lt3A_239 = vector.broadcast %lt3A_238 : f32 to vector<16xf32>
      %lt3A_240 = arith.cmpf olt, %sub3A_237, %lt3A_239 : vector<16xf32>
      %add3A_241 = arith.constant 1.000000e+00 : f32
      %add3A_242 = vector.broadcast %add3A_241 : f32 to vector<16xf32>
      %add3A_243 = arith.addf %sub3A_237, %add3A_242 : vector<16xf32>
      %select_n3A_244 = arith.select %lt3A_240, %add3A_243, %sub3A_237 : vector<16xi1>, vector<16xf32>
      %mul3A_245 = arith.constant 1.280000e+02 : f32
      %mul3A_246 = vector.broadcast %mul3A_245 : f32 to vector<16xf32>
      %mul3A_247 = arith.mulf %select_n3A_244, %mul3A_246 : vector<16xf32>
      %convert_element_type3A_248 = arith.fptosi %mul3A_247 : vector<16xf32> to vector<16xi32>
      %min3A_249 = arith.constant 127 : i32
      %min3A_250 = vector.broadcast %min3A_249 : i32 to vector<16xi32>
      %min3A_251 = arith.minsi %convert_element_type3A_248, %min3A_250 : vector<16xi32>
      %add3A_252 = arith.constant 64 : i32
      %add3A_253 = vector.broadcast %add3A_252 : i32 to vector<16xi32>
      %add3A_254 = arith.addi %iota3A, %add3A_253 : vector<16xi32>
      %get3A_255 = arith.constant 64 : index
      %get3A_256 = tpu.vector_load %arg7[%get3A_255] {strides = array<i32>} : memref<256xi32, #tpu.memory_space<vmem>>, vector<16xi32>,
      tpu.vector_store_idx %arg5[%add3A_254, %get3A_256], %broadcast_in_dim3A_3 : memref<256x128xf32, #tpu.memory_space<vmem>>[vector<16xi32>, vector<16xi32>], vector<16xf32>,
      tpu.vector_store_idx %arg5[%add3A_254, %min3A_251], %broadcast_in_dim3A_5 : memref<256x128xf32, #tpu.memory_space<vmem>>[vector<16xi32>, vector<16xi32>], vector<16xf32>,
      %swap3A_257 = arith.constant 64 : index
      %swap3A_258 = tpu.vector_load %arg7[%swap3A_257] {strides = array<i32>} : memref<256xi32, #tpu.memory_space<vmem>>, vector<16xi32>,
      tpu.vector_store %arg7[%swap3A_257], %min3A_251 {strides = array<i32>} : memref<256xi32, #tpu.memory_space<vmem>>, vector<16xi32>,
      %add3A_259 = arith.constant 80 : i32
      %add3A_260 = arith.addi %mul3A_101, %add3A_259 : i32
      %get3A_261 = arith.index_cast %add3A_260 : i32 to index
      %get3A_262 = tpu.vector_load %arg4[%get3A_261] {strides = array<i32>} : memref<25600xf32, #tpu.memory_space<vmem>>, vector<16xf32>,
      %sub3A_263 = vector.broadcast %scan3A_77 : f32 to vector<16xf32>
      %sub3A_264 = arith.subf %get3A_262, %sub3A_263 : vector<16xf32>
      %mul3A_265 = vector.broadcast %scan3A_78 : f32 to vector<16xf32>
      %mul3A_266 = arith.mulf %sub3A_264, %mul3A_265 : vector<16xf32>
      %convert_element_type3A_267 = arith.fptosi %mul3A_266 : vector<16xf32> to vector<16xi32>
      %convert_element_type3A_268 = arith.sitofp %convert_element_type3A_267 : vector<16xi32> to vector<16xf32>
      %sub3A_269 = arith.subf %mul3A_266, %convert_element_type3A_268 : vector<16xf32>
      %lt3A_270 = arith.constant 0.000000e+00 : f32
      %lt3A_271 = vector.broadcast %lt3A_270 : f32 to vector<16xf32>
      %lt3A_272 = arith.cmpf olt, %sub3A_269, %lt3A_271 : vector<16xf32>
      %add3A_273 = arith.constant 1.000000e+00 : f32
      %add3A_274 = vector.broadcast %add3A_273 : f32 to vector<16xf32>
      %add3A_275 = arith.addf %sub3A_269, %add3A_274 : vector<16xf32>
      %select_n3A_276 = arith.select %lt3A_272, %add3A_275, %sub3A_269 : vector<16xi1>, vector<16xf32>
      %mul3A_277 = arith.constant 1.280000e+02 : f32
      %mul3A_278 = vector.broadcast %mul3A_277 : f32 to vector<16xf32>
      %mul3A_279 = arith.mulf %select_n3A_276, %mul3A_278 : vector<16xf32>
      %convert_element_type3A_280 = arith.fptosi %mul3A_279 : vector<16xf32> to vector<16xi32>
      %min3A_281 = arith.constant 127 : i32
      %min3A_282 = vector.broadcast %min3A_281 : i32 to vector<16xi32>
      %min3A_283 = arith.minsi %convert_element_type3A_280, %min3A_282 : vector<16xi32>
      %add3A_284 = arith.constant 80 : i32
      %add3A_285 = vector.broadcast %add3A_284 : i32 to vector<16xi32>
      %add3A_286 = arith.addi %iota3A, %add3A_285 : vector<16xi32>
      %get3A_287 = arith.constant 80 : index
      %get3A_288 = tpu.vector_load %arg7[%get3A_287] {strides = array<i32>} : memref<256xi32, #tpu.memory_space<vmem>>, vector<16xi32>,
      tpu.vector_store_idx %arg5[%add3A_286, %get3A_288], %broadcast_in_dim3A_3 : memref<256x128xf32, #tpu.memory_space<vmem>>[vector<16xi32>, vector<16xi32>], vector<16xf32>,
      tpu.vector_store_idx %arg5[%add3A_286, %min3A_283], %broadcast_in_dim3A_5 : memref<256x128xf32, #tpu.memory_space<vmem>>[vector<16xi32>, vector<16xi32>], vector<16xf32>,
      %swap3A_289 = arith.constant 80 : index
      %swap3A_290 = tpu.vector_load %arg7[%swap3A_289] {strides = array<i32>} : memref<256xi32, #tpu.memory_space<vmem>>, vector<16xi32>,
      tpu.vector_store %arg7[%swap3A_289], %min3A_283 {strides = array<i32>} : memref<256xi32, #tpu.memory_space<vmem>>, vector<16xi32>,
      %add3A_291 = arith.constant 96 : i32
      %add3A_292 = arith.addi %mul3A_101, %add3A_291 : i32
      %get3A_293 = arith.index_cast %add3A_292 : i32 to index
      %get3A_294 = tpu.vector_load %arg4[%get3A_293] {strides = array<i32>} : memref<25600xf32, #tpu.memory_space<vmem>>, vector<16xf32>,
      %sub3A_295 = vector.broadcast %scan3A_77 : f32 to vector<16xf32>
      %sub3A_296 = arith.subf %get3A_294, %sub3A_295 : vector<16xf32>
      %mul3A_297 = vector.broadcast %scan3A_78 : f32 to vector<16xf32>
      %mul3A_298 = arith.mulf %sub3A_296, %mul3A_297 : vector<16xf32>
      %convert_element_type3A_299 = arith.fptosi %mul3A_298 : vector<16xf32> to vector<16xi32>
      %convert_element_type3A_300 = arith.sitofp %convert_element_type3A_299 : vector<16xi32> to vector<16xf32>
      %sub3A_301 = arith.subf %mul3A_298, %convert_element_type3A_300 : vector<16xf32>
      %lt3A_302 = arith.constant 0.000000e+00 : f32
      %lt3A_303 = vector.broadcast %lt3A_302 : f32 to vector<16xf32>
      %lt3A_304 = arith.cmpf olt, %sub3A_301, %lt3A_303 : vector<16xf32>
      %add3A_305 = arith.constant 1.000000e+00 : f32
      %add3A_306 = vector.broadcast %add3A_305 : f32 to vector<16xf32>
      %add3A_307 = arith.addf %sub3A_301, %add3A_306 : vector<16xf32>
      %select_n3A_308 = arith.select %lt3A_304, %add3A_307, %sub3A_301 : vector<16xi1>, vector<16xf32>
      %mul3A_309 = arith.constant 1.280000e+02 : f32
      %mul3A_310 = vector.broadcast %mul3A_309 : f32 to vector<16xf32>
      %mul3A_311 = arith.mulf %select_n3A_308, %mul3A_310 : vector<16xf32>
      %convert_element_type3A_312 = arith.fptosi %mul3A_311 : vector<16xf32> to vector<16xi32>
      %min3A_313 = arith.constant 127 : i32
      %min3A_314 = vector.broadcast %min3A_313 : i32 to vector<16xi32>
      %min3A_315 = arith.minsi %convert_element_type3A_312, %min3A_314 : vector<16xi32>
      %add3A_316 = arith.constant 96 : i32
      %add3A_317 = vector.broadcast %add3A_316 : i32 to vector<16xi32>
      %add3A_318 = arith.addi %iota3A, %add3A_317 : vector<16xi32>
      %get3A_319 = arith.constant 96 : index
      %get3A_320 = tpu.vector_load %arg7[%get3A_319] {strides = array<i32>} : memref<256xi32, #tpu.memory_space<vmem>>, vector<16xi32>,
      tpu.vector_store_idx %arg5[%add3A_318, %get3A_320], %broadcast_in_dim3A_3 : memref<256x128xf32, #tpu.memory_space<vmem>>[vector<16xi32>, vector<16xi32>], vector<16xf32>,
      tpu.vector_store_idx %arg5[%add3A_318, %min3A_315], %broadcast_in_dim3A_5 : memref<256x128xf32, #tpu.memory_space<vmem>>[vector<16xi32>, vector<16xi32>], vector<16xf32>,
      %swap3A_321 = arith.constant 96 : index
      %swap3A_322 = tpu.vector_load %arg7[%swap3A_321] {strides = array<i32>} : memref<256xi32, #tpu.memory_space<vmem>>, vector<16xi32>,
      tpu.vector_store %arg7[%swap3A_321], %min3A_315 {strides = array<i32>} : memref<256xi32, #tpu.memory_space<vmem>>, vector<16xi32>,
      %add3A_323 = arith.constant 112 : i32
      %add3A_324 = arith.addi %mul3A_101, %add3A_323 : i32
      %get3A_325 = arith.index_cast %add3A_324 : i32 to index
      %get3A_326 = tpu.vector_load %arg4[%get3A_325] {strides = array<i32>} : memref<25600xf32, #tpu.memory_space<vmem>>, vector<16xf32>,
      %sub3A_327 = vector.broadcast %scan3A_77 : f32 to vector<16xf32>
      %sub3A_328 = arith.subf %get3A_326, %sub3A_327 : vector<16xf32>
      %mul3A_329 = vector.broadcast %scan3A_78 : f32 to vector<16xf32>
      %mul3A_330 = arith.mulf %sub3A_328, %mul3A_329 : vector<16xf32>
      %convert_element_type3A_331 = arith.fptosi %mul3A_330 : vector<16xf32> to vector<16xi32>
      %convert_element_type3A_332 = arith.sitofp %convert_element_type3A_331 : vector<16xi32> to vector<16xf32>
      %sub3A_333 = arith.subf %mul3A_330, %convert_element_type3A_332 : vector<16xf32>
      %lt3A_334 = arith.constant 0.000000e+00 : f32
      %lt3A_335 = vector.broadcast %lt3A_334 : f32 to vector<16xf32>
      %lt3A_336 = arith.cmpf olt, %sub3A_333, %lt3A_335 : vector<16xf32>
      %add3A_337 = arith.constant 1.000000e+00 : f32
      %add3A_338 = vector.broadcast %add3A_337 : f32 to vector<16xf32>
      %add3A_339 = arith.addf %sub3A_333, %add3A_338 : vector<16xf32>
      %select_n3A_340 = arith.select %lt3A_336, %add3A_339, %sub3A_333 : vector<16xi1>, vector<16xf32>
      %mul3A_341 = arith.constant 1.280000e+02 : f32
      %mul3A_342 = vector.broadcast %mul3A_341 : f32 to vector<16xf32>
      %mul3A_343 = arith.mulf %select_n3A_340, %mul3A_342 : vector<16xf32>
      %convert_element_type3A_344 = arith.fptosi %mul3A_343 : vector<16xf32> to vector<16xi32>
      %min3A_345 = arith.constant 127 : i32
      %min3A_346 = vector.broadcast %min3A_345 : i32 to vector<16xi32>
      %min3A_347 = arith.minsi %convert_element_type3A_344, %min3A_346 : vector<16xi32>
      %add3A_348 = arith.constant 112 : i32
      %add3A_349 = vector.broadcast %add3A_348 : i32 to vector<16xi32>
      %add3A_350 = arith.addi %iota3A, %add3A_349 : vector<16xi32>
      %get3A_351 = arith.constant 112 : index
      %get3A_352 = tpu.vector_load %arg7[%get3A_351] {strides = array<i32>} : memref<256xi32, #tpu.memory_space<vmem>>, vector<16xi32>,
      tpu.vector_store_idx %arg5[%add3A_350, %get3A_352], %broadcast_in_dim3A_3 : memref<256x128xf32, #tpu.memory_space<vmem>>[vector<16xi32>, vector<16xi32>], vector<16xf32>,
      tpu.vector_store_idx %arg5[%add3A_350, %min3A_347], %broadcast_in_dim3A_5 : memref<256x128xf32, #tpu.memory_space<vmem>>[vector<16xi32>, vector<16xi32>], vector<16xf32>,
      %swap3A_353 = arith.constant 112 : index
      %swap3A_354 = tpu.vector_load %arg7[%swap3A_353] {strides = array<i32>} : memref<256xi32, #tpu.memory_space<vmem>>, vector<16xi32>,
      tpu.vector_store %arg7[%swap3A_353], %min3A_347 {strides = array<i32>} : memref<256xi32, #tpu.memory_space<vmem>>, vector<16xi32>,
      %add3A_355 = arith.constant 128 : i32
      %add3A_356 = arith.addi %mul3A_101, %add3A_355 : i32
      %get3A_357 = arith.index_cast %add3A_356 : i32 to index
      %get3A_358 = tpu.vector_load %arg4[%get3A_357] {strides = array<i32>} : memref<25600xf32, #tpu.memory_space<vmem>>, vector<16xf32>,
      %sub3A_359 = vector.broadcast %scan3A_77 : f32 to vector<16xf32>
      %sub3A_360 = arith.subf %get3A_358, %sub3A_359 : vector<16xf32>
      %mul3A_361 = vector.broadcast %scan3A_78 : f32 to vector<16xf32>
      %mul3A_362 = arith.mulf %sub3A_360, %mul3A_361 : vector<16xf32>
      %convert_element_type3A_363 = arith.fptosi %mul3A_362 : vector<16xf32> to vector<16xi32>
      %convert_element_type3A_364 = arith.sitofp %convert_element_type3A_363 : vector<16xi32> to vector<16xf32>
      %sub3A_365 = arith.subf %mul3A_362, %convert_element_type3A_364 : vector<16xf32>
      %lt3A_366 = arith.constant 0.000000e+00 : f32
      %lt3A_367 = vector.broadcast %lt3A_366 : f32 to vector<16xf32>
      %lt3A_368 = arith.cmpf olt, %sub3A_365, %lt3A_367 : vector<16xf32>
      %add3A_369 = arith.constant 1.000000e+00 : f32
      %add3A_370 = vector.broadcast %add3A_369 : f32 to vector<16xf32>
      %add3A_371 = arith.addf %sub3A_365, %add3A_370 : vector<16xf32>
      %select_n3A_372 = arith.select %lt3A_368, %add3A_371, %sub3A_365 : vector<16xi1>, vector<16xf32>
      %mul3A_373 = arith.constant 1.280000e+02 : f32
      %mul3A_374 = vector.broadcast %mul3A_373 : f32 to vector<16xf32>
      %mul3A_375 = arith.mulf %select_n3A_372, %mul3A_374 : vector<16xf32>
      %convert_element_type3A_376 = arith.fptosi %mul3A_375 : vector<16xf32> to vector<16xi32>
      %min3A_377 = arith.constant 127 : i32
      %min3A_378 = vector.broadcast %min3A_377 : i32 to vector<16xi32>
      %min3A_379 = arith.minsi %convert_element_type3A_376, %min3A_378 : vector<16xi32>
      %add3A_380 = arith.constant 128 : i32
      %add3A_381 = vector.broadcast %add3A_380 : i32 to vector<16xi32>
      %add3A_382 = arith.addi %iota3A, %add3A_381 : vector<16xi32>
      %get3A_383 = arith.constant 128 : index
      %get3A_384 = tpu.vector_load %arg7[%get3A_383] {strides = array<i32>} : memref<256xi32, #tpu.memory_space<vmem>>, vector<16xi32>,
      tpu.vector_store_idx %arg5[%add3A_382, %get3A_384], %broadcast_in_dim3A_3 : memref<256x128xf32, #tpu.memory_space<vmem>>[vector<16xi32>, vector<16xi32>], vector<16xf32>,
      tpu.vector_store_idx %arg5[%add3A_382, %min3A_379], %broadcast_in_dim3A_5 : memref<256x128xf32, #tpu.memory_space<vmem>>[vector<16xi32>, vector<16xi32>], vector<16xf32>,
      %swap3A_385 = arith.constant 128 : index
      %swap3A_386 = tpu.vector_load %arg7[%swap3A_385] {strides = array<i32>} : memref<256xi32, #tpu.memory_space<vmem>>, vector<16xi32>,
      tpu.vector_store %arg7[%swap3A_385], %min3A_379 {strides = array<i32>} : memref<256xi32, #tpu.memory_space<vmem>>, vector<16xi32>,
      %add3A_387 = arith.constant 144 : i32
      %add3A_388 = arith.addi %mul3A_101, %add3A_387 : i32
      %get3A_389 = arith.index_cast %add3A_388 : i32 to index
      %get3A_390 = tpu.vector_load %arg4[%get3A_389] {strides = array<i32>} : memref<25600xf32, #tpu.memory_space<vmem>>, vector<16xf32>,
      %sub3A_391 = vector.broadcast %scan3A_77 : f32 to vector<16xf32>
      %sub3A_392 = arith.subf %get3A_390, %sub3A_391 : vector<16xf32>
      %mul3A_393 = vector.broadcast %scan3A_78 : f32 to vector<16xf32>
      %mul3A_394 = arith.mulf %sub3A_392, %mul3A_393 : vector<16xf32>
      %convert_element_type3A_395 = arith.fptosi %mul3A_394 : vector<16xf32> to vector<16xi32>
      %convert_element_type3A_396 = arith.sitofp %convert_element_type3A_395 : vector<16xi32> to vector<16xf32>
      %sub3A_397 = arith.subf %mul3A_394, %convert_element_type3A_396 : vector<16xf32>
      %lt3A_398 = arith.constant 0.000000e+00 : f32
      %lt3A_399 = vector.broadcast %lt3A_398 : f32 to vector<16xf32>
      %lt3A_400 = arith.cmpf olt, %sub3A_397, %lt3A_399 : vector<16xf32>
      %add3A_401 = arith.constant 1.000000e+00 : f32
      %add3A_402 = vector.broadcast %add3A_401 : f32 to vector<16xf32>
      %add3A_403 = arith.addf %sub3A_397, %add3A_402 : vector<16xf32>
      %select_n3A_404 = arith.select %lt3A_400, %add3A_403, %sub3A_397 : vector<16xi1>, vector<16xf32>
      %mul3A_405 = arith.constant 1.280000e+02 : f32
      %mul3A_406 = vector.broadcast %mul3A_405 : f32 to vector<16xf32>
      %mul3A_407 = arith.mulf %select_n3A_404, %mul3A_406 : vector<16xf32>
      %convert_element_type3A_408 = arith.fptosi %mul3A_407 : vector<16xf32> to vector<16xi32>
      %min3A_409 = arith.constant 127 : i32
      %min3A_410 = vector.broadcast %min3A_409 : i32 to vector<16xi32>
      %min3A_411 = arith.minsi %convert_element_type3A_408, %min3A_410 : vector<16xi32>
      %add3A_412 = arith.constant 144 : i32
      %add3A_413 = vector.broadcast %add3A_412 : i32 to vector<16xi32>
      %add3A_414 = arith.addi %iota3A, %add3A_413 : vector<16xi32>
      %get3A_415 = arith.constant 144 : index
      %get3A_416 = tpu.vector_load %arg7[%get3A_415] {strides = array<i32>} : memref<256xi32, #tpu.memory_space<vmem>>, vector<16xi32>,
      tpu.vector_store_idx %arg5[%add3A_414, %get3A_416], %broadcast_in_dim3A_3 : memref<256x128xf32, #tpu.memory_space<vmem>>[vector<16xi32>, vector<16xi32>], vector<16xf32>,
      tpu.vector_store_idx %arg5[%add3A_414, %min3A_411], %broadcast_in_dim3A_5 : memref<256x128xf32, #tpu.memory_space<vmem>>[vector<16xi32>, vector<16xi32>], vector<16xf32>,
      %swap3A_417 = arith.constant 144 : index
      %swap3A_418 = tpu.vector_load %arg7[%swap3A_417] {strides = array<i32>} : memref<256xi32, #tpu.memory_space<vmem>>, vector<16xi32>,
      tpu.vector_store %arg7[%swap3A_417], %min3A_411 {strides = array<i32>} : memref<256xi32, #tpu.memory_space<vmem>>, vector<16xi32>,
      %add3A_419 = arith.constant 160 : i32
      %add3A_420 = arith.addi %mul3A_101, %add3A_419 : i32
      %get3A_421 = arith.index_cast %add3A_420 : i32 to index
      %get3A_422 = tpu.vector_load %arg4[%get3A_421] {strides = array<i32>} : memref<25600xf32, #tpu.memory_space<vmem>>, vector<16xf32>,
      %sub3A_423 = vector.broadcast %scan3A_77 : f32 to vector<16xf32>
      %sub3A_424 = arith.subf %get3A_422, %sub3A_423 : vector<16xf32>
      %mul3A_425 = vector.broadcast %scan3A_78 : f32 to vector<16xf32>
      %mul3A_426 = arith.mulf %sub3A_424, %mul3A_425 : vector<16xf32>
      %convert_element_type3A_427 = arith.fptosi %mul3A_426 : vector<16xf32> to vector<16xi32>
      %convert_element_type3A_428 = arith.sitofp %convert_element_type3A_427 : vector<16xi32> to vector<16xf32>
      %sub3A_429 = arith.subf %mul3A_426, %convert_element_type3A_428 : vector<16xf32>
      %lt3A_430 = arith.constant 0.000000e+00 : f32
      %lt3A_431 = vector.broadcast %lt3A_430 : f32 to vector<16xf32>
      %lt3A_432 = arith.cmpf olt, %sub3A_429, %lt3A_431 : vector<16xf32>
      %add3A_433 = arith.constant 1.000000e+00 : f32
      %add3A_434 = vector.broadcast %add3A_433 : f32 to vector<16xf32>
      %add3A_435 = arith.addf %sub3A_429, %add3A_434 : vector<16xf32>
      %select_n3A_436 = arith.select %lt3A_432, %add3A_435, %sub3A_429 : vector<16xi1>, vector<16xf32>
      %mul3A_437 = arith.constant 1.280000e+02 : f32
      %mul3A_438 = vector.broadcast %mul3A_437 : f32 to vector<16xf32>
      %mul3A_439 = arith.mulf %select_n3A_436, %mul3A_438 : vector<16xf32>
      %convert_element_type3A_440 = arith.fptosi %mul3A_439 : vector<16xf32> to vector<16xi32>
      %min3A_441 = arith.constant 127 : i32
      %min3A_442 = vector.broadcast %min3A_441 : i32 to vector<16xi32>
      %min3A_443 = arith.minsi %convert_element_type3A_440, %min3A_442 : vector<16xi32>
      %add3A_444 = arith.constant 160 : i32
      %add3A_445 = vector.broadcast %add3A_444 : i32 to vector<16xi32>
      %add3A_446 = arith.addi %iota3A, %add3A_445 : vector<16xi32>
      %get3A_447 = arith.constant 160 : index
      %get3A_448 = tpu.vector_load %arg7[%get3A_447] {strides = array<i32>} : memref<256xi32, #tpu.memory_space<vmem>>, vector<16xi32>,
      tpu.vector_store_idx %arg5[%add3A_446, %get3A_448], %broadcast_in_dim3A_3 : memref<256x128xf32, #tpu.memory_space<vmem>>[vector<16xi32>, vector<16xi32>], vector<16xf32>,
      tpu.vector_store_idx %arg5[%add3A_446, %min3A_443], %broadcast_in_dim3A_5 : memref<256x128xf32, #tpu.memory_space<vmem>>[vector<16xi32>, vector<16xi32>], vector<16xf32>,
      %swap3A_449 = arith.constant 160 : index
      %swap3A_450 = tpu.vector_load %arg7[%swap3A_449] {strides = array<i32>} : memref<256xi32, #tpu.memory_space<vmem>>, vector<16xi32>,
      tpu.vector_store %arg7[%swap3A_449], %min3A_443 {strides = array<i32>} : memref<256xi32, #tpu.memory_space<vmem>>, vector<16xi32>,
      %add3A_451 = arith.constant 176 : i32
      %add3A_452 = arith.addi %mul3A_101, %add3A_451 : i32
      %get3A_453 = arith.index_cast %add3A_452 : i32 to index
      %get3A_454 = tpu.vector_load %arg4[%get3A_453] {strides = array<i32>} : memref<25600xf32, #tpu.memory_space<vmem>>, vector<16xf32>,
      %sub3A_455 = vector.broadcast %scan3A_77 : f32 to vector<16xf32>
      %sub3A_456 = arith.subf %get3A_454, %sub3A_455 : vector<16xf32>
      %mul3A_457 = vector.broadcast %scan3A_78 : f32 to vector<16xf32>
      %mul3A_458 = arith.mulf %sub3A_456, %mul3A_457 : vector<16xf32>
      %convert_element_type3A_459 = arith.fptosi %mul3A_458 : vector<16xf32> to vector<16xi32>
      %convert_element_type3A_460 = arith.sitofp %convert_element_type3A_459 : vector<16xi32> to vector<16xf32>
      %sub3A_461 = arith.subf %mul3A_458, %convert_element_type3A_460 : vector<16xf32>
      %lt3A_462 = arith.constant 0.000000e+00 : f32
      %lt3A_463 = vector.broadcast %lt3A_462 : f32 to vector<16xf32>
      %lt3A_464 = arith.cmpf olt, %sub3A_461, %lt3A_463 : vector<16xf32>
      %add3A_465 = arith.constant 1.000000e+00 : f32
      %add3A_466 = vector.broadcast %add3A_465 : f32 to vector<16xf32>
      %add3A_467 = arith.addf %sub3A_461, %add3A_466 : vector<16xf32>
      %select_n3A_468 = arith.select %lt3A_464, %add3A_467, %sub3A_461 : vector<16xi1>, vector<16xf32>
      %mul3A_469 = arith.constant 1.280000e+02 : f32
      %mul3A_470 = vector.broadcast %mul3A_469 : f32 to vector<16xf32>
      %mul3A_471 = arith.mulf %select_n3A_468, %mul3A_470 : vector<16xf32>
      %convert_element_type3A_472 = arith.fptosi %mul3A_471 : vector<16xf32> to vector<16xi32>
      %min3A_473 = arith.constant 127 : i32
      %min3A_474 = vector.broadcast %min3A_473 : i32 to vector<16xi32>
      %min3A_475 = arith.minsi %convert_element_type3A_472, %min3A_474 : vector<16xi32>
      %add3A_476 = arith.constant 176 : i32
      %add3A_477 = vector.broadcast %add3A_476 : i32 to vector<16xi32>
      %add3A_478 = arith.addi %iota3A, %add3A_477 : vector<16xi32>
      %get3A_479 = arith.constant 176 : index
      %get3A_480 = tpu.vector_load %arg7[%get3A_479] {strides = array<i32>} : memref<256xi32, #tpu.memory_space<vmem>>, vector<16xi32>,
      tpu.vector_store_idx %arg5[%add3A_478, %get3A_480], %broadcast_in_dim3A_3 : memref<256x128xf32, #tpu.memory_space<vmem>>[vector<16xi32>, vector<16xi32>], vector<16xf32>,
      tpu.vector_store_idx %arg5[%add3A_478, %min3A_475], %broadcast_in_dim3A_5 : memref<256x128xf32, #tpu.memory_space<vmem>>[vector<16xi32>, vector<16xi32>], vector<16xf32>,
      %swap3A_481 = arith.constant 176 : index
      %swap3A_482 = tpu.vector_load %arg7[%swap3A_481] {strides = array<i32>} : memref<256xi32, #tpu.memory_space<vmem>>, vector<16xi32>,
      tpu.vector_store %arg7[%swap3A_481], %min3A_475 {strides = array<i32>} : memref<256xi32, #tpu.memory_space<vmem>>, vector<16xi32>,
      %add3A_483 = arith.constant 192 : i32
      %add3A_484 = arith.addi %mul3A_101, %add3A_483 : i32
      %get3A_485 = arith.index_cast %add3A_484 : i32 to index
      %get3A_486 = tpu.vector_load %arg4[%get3A_485] {strides = array<i32>} : memref<25600xf32, #tpu.memory_space<vmem>>, vector<16xf32>,
      %sub3A_487 = vector.broadcast %scan3A_77 : f32 to vector<16xf32>
      %sub3A_488 = arith.subf %get3A_486, %sub3A_487 : vector<16xf32>
      %mul3A_489 = vector.broadcast %scan3A_78 : f32 to vector<16xf32>
      %mul3A_490 = arith.mulf %sub3A_488, %mul3A_489 : vector<16xf32>
      %convert_element_type3A_491 = arith.fptosi %mul3A_490 : vector<16xf32> to vector<16xi32>
      %convert_element_type3A_492 = arith.sitofp %convert_element_type3A_491 : vector<16xi32> to vector<16xf32>
      %sub3A_493 = arith.subf %mul3A_490, %convert_element_type3A_492 : vector<16xf32>
      %lt3A_494 = arith.constant 0.000000e+00 : f32
      %lt3A_495 = vector.broadcast %lt3A_494 : f32 to vector<16xf32>
      %lt3A_496 = arith.cmpf olt, %sub3A_493, %lt3A_495 : vector<16xf32>
      %add3A_497 = arith.constant 1.000000e+00 : f32
      %add3A_498 = vector.broadcast %add3A_497 : f32 to vector<16xf32>
      %add3A_499 = arith.addf %sub3A_493, %add3A_498 : vector<16xf32>
      %select_n3A_500 = arith.select %lt3A_496, %add3A_499, %sub3A_493 : vector<16xi1>, vector<16xf32>
      %mul3A_501 = arith.constant 1.280000e+02 : f32
      %mul3A_502 = vector.broadcast %mul3A_501 : f32 to vector<16xf32>
      %mul3A_503 = arith.mulf %select_n3A_500, %mul3A_502 : vector<16xf32>
      %convert_element_type3A_504 = arith.fptosi %mul3A_503 : vector<16xf32> to vector<16xi32>
      %min3A_505 = arith.constant 127 : i32
      %min3A_506 = vector.broadcast %min3A_505 : i32 to vector<16xi32>
      %min3A_507 = arith.minsi %convert_element_type3A_504, %min3A_506 : vector<16xi32>
      %add3A_508 = arith.constant 192 : i32
      %add3A_509 = vector.broadcast %add3A_508 : i32 to vector<16xi32>
      %add3A_510 = arith.addi %iota3A, %add3A_509 : vector<16xi32>
      %get3A_511 = arith.constant 192 : index
      %get3A_512 = tpu.vector_load %arg7[%get3A_511] {strides = array<i32>} : memref<256xi32, #tpu.memory_space<vmem>>, vector<16xi32>,
      tpu.vector_store_idx %arg5[%add3A_510, %get3A_512], %broadcast_in_dim3A_3 : memref<256x128xf32, #tpu.memory_space<vmem>>[vector<16xi32>, vector<16xi32>], vector<16xf32>,
      tpu.vector_store_idx %arg5[%add3A_510, %min3A_507], %broadcast_in_dim3A_5 : memref<256x128xf32, #tpu.memory_space<vmem>>[vector<16xi32>, vector<16xi32>], vector<16xf32>,
      %swap3A_513 = arith.constant 192 : index
      %swap3A_514 = tpu.vector_load %arg7[%swap3A_513] {strides = array<i32>} : memref<256xi32, #tpu.memory_space<vmem>>, vector<16xi32>,
      tpu.vector_store %arg7[%swap3A_513], %min3A_507 {strides = array<i32>} : memref<256xi32, #tpu.memory_space<vmem>>, vector<16xi32>,
      %add3A_515 = arith.constant 208 : i32
      %add3A_516 = arith.addi %mul3A_101, %add3A_515 : i32
      %get3A_517 = arith.index_cast %add3A_516 : i32 to index
      %get3A_518 = tpu.vector_load %arg4[%get3A_517] {strides = array<i32>} : memref<25600xf32, #tpu.memory_space<vmem>>, vector<16xf32>,
      %sub3A_519 = vector.broadcast %scan3A_77 : f32 to vector<16xf32>
      %sub3A_520 = arith.subf %get3A_518, %sub3A_519 : vector<16xf32>
      %mul3A_521 = vector.broadcast %scan3A_78 : f32 to vector<16xf32>
      %mul3A_522 = arith.mulf %sub3A_520, %mul3A_521 : vector<16xf32>
      %convert_element_type3A_523 = arith.fptosi %mul3A_522 : vector<16xf32> to vector<16xi32>
      %convert_element_type3A_524 = arith.sitofp %convert_element_type3A_523 : vector<16xi32> to vector<16xf32>
      %sub3A_525 = arith.subf %mul3A_522, %convert_element_type3A_524 : vector<16xf32>
      %lt3A_526 = arith.constant 0.000000e+00 : f32
      %lt3A_527 = vector.broadcast %lt3A_526 : f32 to vector<16xf32>
      %lt3A_528 = arith.cmpf olt, %sub3A_525, %lt3A_527 : vector<16xf32>
      %add3A_529 = arith.constant 1.000000e+00 : f32
      %add3A_530 = vector.broadcast %add3A_529 : f32 to vector<16xf32>
      %add3A_531 = arith.addf %sub3A_525, %add3A_530 : vector<16xf32>
      %select_n3A_532 = arith.select %lt3A_528, %add3A_531, %sub3A_525 : vector<16xi1>, vector<16xf32>
      %mul3A_533 = arith.constant 1.280000e+02 : f32
      %mul3A_534 = vector.broadcast %mul3A_533 : f32 to vector<16xf32>
      %mul3A_535 = arith.mulf %select_n3A_532, %mul3A_534 : vector<16xf32>
      %convert_element_type3A_536 = arith.fptosi %mul3A_535 : vector<16xf32> to vector<16xi32>
      %min3A_537 = arith.constant 127 : i32
      %min3A_538 = vector.broadcast %min3A_537 : i32 to vector<16xi32>
      %min3A_539 = arith.minsi %convert_element_type3A_536, %min3A_538 : vector<16xi32>
      %add3A_540 = arith.constant 208 : i32
      %add3A_541 = vector.broadcast %add3A_540 : i32 to vector<16xi32>
      %add3A_542 = arith.addi %iota3A, %add3A_541 : vector<16xi32>
      %get3A_543 = arith.constant 208 : index
      %get3A_544 = tpu.vector_load %arg7[%get3A_543] {strides = array<i32>} : memref<256xi32, #tpu.memory_space<vmem>>, vector<16xi32>,
      tpu.vector_store_idx %arg5[%add3A_542, %get3A_544], %broadcast_in_dim3A_3 : memref<256x128xf32, #tpu.memory_space<vmem>>[vector<16xi32>, vector<16xi32>], vector<16xf32>,
      tpu.vector_store_idx %arg5[%add3A_542, %min3A_539], %broadcast_in_dim3A_5 : memref<256x128xf32, #tpu.memory_space<vmem>>[vector<16xi32>, vector<16xi32>], vector<16xf32>,
      %swap3A_545 = arith.constant 208 : index
      %swap3A_546 = tpu.vector_load %arg7[%swap3A_545] {strides = array<i32>} : memref<256xi32, #tpu.memory_space<vmem>>, vector<16xi32>,
      tpu.vector_store %arg7[%swap3A_545], %min3A_539 {strides = array<i32>} : memref<256xi32, #tpu.memory_space<vmem>>, vector<16xi32>,
      %add3A_547 = arith.constant 224 : i32
      %add3A_548 = arith.addi %mul3A_101, %add3A_547 : i32
      %get3A_549 = arith.index_cast %add3A_548 : i32 to index
      %get3A_550 = tpu.vector_load %arg4[%get3A_549] {strides = array<i32>} : memref<25600xf32, #tpu.memory_space<vmem>>, vector<16xf32>,
      %sub3A_551 = vector.broadcast %scan3A_77 : f32 to vector<16xf32>
      %sub3A_552 = arith.subf %get3A_550, %sub3A_551 : vector<16xf32>
      %mul3A_553 = vector.broadcast %scan3A_78 : f32 to vector<16xf32>
      %mul3A_554 = arith.mulf %sub3A_552, %mul3A_553 : vector<16xf32>
      %convert_element_type3A_555 = arith.fptosi %mul3A_554 : vector<16xf32> to vector<16xi32>
      %convert_element_type3A_556 = arith.sitofp %convert_element_type3A_555 : vector<16xi32> to vector<16xf32>
      %sub3A_557 = arith.subf %mul3A_554, %convert_element_type3A_556 : vector<16xf32>
      %lt3A_558 = arith.constant 0.000000e+00 : f32
      %lt3A_559 = vector.broadcast %lt3A_558 : f32 to vector<16xf32>
      %lt3A_560 = arith.cmpf olt, %sub3A_557, %lt3A_559 : vector<16xf32>
      %add3A_561 = arith.constant 1.000000e+00 : f32
      %add3A_562 = vector.broadcast %add3A_561 : f32 to vector<16xf32>
      %add3A_563 = arith.addf %sub3A_557, %add3A_562 : vector<16xf32>
      %select_n3A_564 = arith.select %lt3A_560, %add3A_563, %sub3A_557 : vector<16xi1>, vector<16xf32>
      %mul3A_565 = arith.constant 1.280000e+02 : f32
      %mul3A_566 = vector.broadcast %mul3A_565 : f32 to vector<16xf32>
      %mul3A_567 = arith.mulf %select_n3A_564, %mul3A_566 : vector<16xf32>
      %convert_element_type3A_568 = arith.fptosi %mul3A_567 : vector<16xf32> to vector<16xi32>
      %min3A_569 = arith.constant 127 : i32
      %min3A_570 = vector.broadcast %min3A_569 : i32 to vector<16xi32>
      %min3A_571 = arith.minsi %convert_element_type3A_568, %min3A_570 : vector<16xi32>
      %add3A_572 = arith.constant 224 : i32
      %add3A_573 = vector.broadcast %add3A_572 : i32 to vector<16xi32>
      %add3A_574 = arith.addi %iota3A, %add3A_573 : vector<16xi32>
      %get3A_575 = arith.constant 224 : index
      %get3A_576 = tpu.vector_load %arg7[%get3A_575] {strides = array<i32>} : memref<256xi32, #tpu.memory_space<vmem>>, vector<16xi32>,
      tpu.vector_store_idx %arg5[%add3A_574, %get3A_576], %broadcast_in_dim3A_3 : memref<256x128xf32, #tpu.memory_space<vmem>>[vector<16xi32>, vector<16xi32>], vector<16xf32>,
      tpu.vector_store_idx %arg5[%add3A_574, %min3A_571], %broadcast_in_dim3A_5 : memref<256x128xf32, #tpu.memory_space<vmem>>[vector<16xi32>, vector<16xi32>], vector<16xf32>,
      %swap3A_577 = arith.constant 224 : index
      %swap3A_578 = tpu.vector_load %arg7[%swap3A_577] {strides = array<i32>} : memref<256xi32, #tpu.memory_space<vmem>>, vector<16xi32>,
      tpu.vector_store %arg7[%swap3A_577], %min3A_571 {strides = array<i32>} : memref<256xi32, #tpu.memory_space<vmem>>, vector<16xi32>,
      %add3A_579 = arith.constant 240 : i32
      %add3A_580 = arith.addi %mul3A_101, %add3A_579 : i32
      %get3A_581 = arith.index_cast %add3A_580 : i32 to index
      %get3A_582 = tpu.vector_load %arg4[%get3A_581] {strides = array<i32>} : memref<25600xf32, #tpu.memory_space<vmem>>, vector<16xf32>,
      %sub3A_583 = vector.broadcast %scan3A_77 : f32 to vector<16xf32>
      %sub3A_584 = arith.subf %get3A_582, %sub3A_583 : vector<16xf32>
      %mul3A_585 = vector.broadcast %scan3A_78 : f32 to vector<16xf32>
      %mul3A_586 = arith.mulf %sub3A_584, %mul3A_585 : vector<16xf32>
      %convert_element_type3A_587 = arith.fptosi %mul3A_586 : vector<16xf32> to vector<16xi32>
      %convert_element_type3A_588 = arith.sitofp %convert_element_type3A_587 : vector<16xi32> to vector<16xf32>
      %sub3A_589 = arith.subf %mul3A_586, %convert_element_type3A_588 : vector<16xf32>
      %lt3A_590 = arith.constant 0.000000e+00 : f32
      %lt3A_591 = vector.broadcast %lt3A_590 : f32 to vector<16xf32>
      %lt3A_592 = arith.cmpf olt, %sub3A_589, %lt3A_591 : vector<16xf32>
      %add3A_593 = arith.constant 1.000000e+00 : f32
      %add3A_594 = vector.broadcast %add3A_593 : f32 to vector<16xf32>
      %add3A_595 = arith.addf %sub3A_589, %add3A_594 : vector<16xf32>
      %select_n3A_596 = arith.select %lt3A_592, %add3A_595, %sub3A_589 : vector<16xi1>, vector<16xf32>
      %mul3A_597 = arith.constant 1.280000e+02 : f32
      %mul3A_598 = vector.broadcast %mul3A_597 : f32 to vector<16xf32>
      %mul3A_599 = arith.mulf %select_n3A_596, %mul3A_598 : vector<16xf32>
      %convert_element_type3A_600 = arith.fptosi %mul3A_599 : vector<16xf32> to vector<16xi32>
      %min3A_601 = arith.constant 127 : i32
      %min3A_602 = vector.broadcast %min3A_601 : i32 to vector<16xi32>
      %min3A_603 = arith.minsi %convert_element_type3A_600, %min3A_602 : vector<16xi32>
      %add3A_604 = arith.constant 240 : i32
      %add3A_605 = vector.broadcast %add3A_604 : i32 to vector<16xi32>
      %add3A_606 = arith.addi %iota3A, %add3A_605 : vector<16xi32>
      %get3A_607 = arith.constant 240 : index
      %get3A_608 = tpu.vector_load %arg7[%get3A_607] {strides = array<i32>} : memref<256xi32, #tpu.memory_space<vmem>>, vector<16xi32>,
      tpu.vector_store_idx %arg5[%add3A_606, %get3A_608], %broadcast_in_dim3A_3 : memref<256x128xf32, #tpu.memory_space<vmem>>[vector<16xi32>, vector<16xi32>], vector<16xf32>,
      tpu.vector_store_idx %arg5[%add3A_606, %min3A_603], %broadcast_in_dim3A_5 : memref<256x128xf32, #tpu.memory_space<vmem>>[vector<16xi32>, vector<16xi32>], vector<16xf32>,
      %swap3A_609 = arith.constant 240 : index
      %swap3A_610 = tpu.vector_load %arg7[%swap3A_609] {strides = array<i32>} : memref<256xi32, #tpu.memory_space<vmem>>, vector<16xi32>,
      tpu.vector_store %arg7[%swap3A_609], %min3A_603 {strides = array<i32>} : memref<256xi32, #tpu.memory_space<vmem>>, vector<16xi32>,
      %add3A_611 = arith.addi %mul3A_2, %mul3A_101 : i32
      %dma_start3A = arith.constant 0 : i32
      %dma_start3A_612 = tpu.memref_slice %arg3[%add3A_611, %dma_start3A] : memref<819200x128xf32, #tpu.memory_space<hbm>> -> memref<256x128xf32, #tpu.memory_space<hbm>>
      %dma_start3A_613 = arith.constant 0 : i32
      %dma_start3A_614 = tpu.memref_slice %arg3[%add3A_611, %dma_start3A_613] : memref<819200x128xf32, #tpu.memory_space<hbm>> -> memref<256x128xf32, #tpu.memory_space<hbm>>
      tpu.enqueue_dma source(%arg5 : memref<256x128xf32, #tpu.memory_space<vmem>>) target(%dma_start3A_614 : memref<256x128xf32, #tpu.memory_space<hbm>>) target_semaphore(%arg9 : memref<!tpu.dma_semaphore, #tpu.memory_space<semaphore_mem>>)
      %mul3A_615 = arith.constant 2 : i32
      %mul3A_616 = arith.muli %scan3A_95, %mul3A_615 : i32
      %add3A_617 = arith.constant 1 : i32
      %add3A_618 = arith.addi %mul3A_616, %add3A_617 : i32
      %mul3A_619 = arith.constant 256 : i32
      %mul3A_620 = arith.muli %add3A_618, %mul3A_619 : i32
      %gt3A_621 = arith.constant 0 : i32
      %gt3A_622 = arith.cmpi sgt, %scan3A_95, %gt3A_621 : i32
      %convert_element_type3A_623 = arith.extui %gt3A_622 : i1 to i32
      %cond3A_624 = arith.constant 0 : i32
      %cond3A_625 = arith.cmpi ne, %convert_element_type3A_623, %cond3A_624 : i32
      scf.if %cond3A_625 {
        %add3A_1143 = arith.addi %mul3A_2, %mul3A_620 : i32
        %sub3A_1144 = arith.constant 512 : i32
        %sub3A_1145 = arith.subi %add3A_1143, %sub3A_1144 : i32
        %dma_wait3A_1146 = arith.constant 0 : i32
        %dma_wait3A_1147 = tpu.memref_slice %arg3[%sub3A_1145, %dma_wait3A_1146] : memref<819200x128xf32, #tpu.memory_space<hbm>> -> memref<256x128xf32, #tpu.memory_space<hbm>>
        %dma_wait3A_1148 = arith.constant 0 : i32
        %dma_wait3A_1149 = tpu.memref_slice %arg3[%sub3A_1145, %dma_wait3A_1148] : memref<819200x128xf32, #tpu.memory_space<hbm>> -> memref<256x128xf32, #tpu.memory_space<hbm>>
        tpu.wait_dma2 semaphore(%arg10 : memref<!tpu.dma_semaphore, #tpu.memory_space<semaphore_mem>>) src(%arg6 : memref<256x128xf32, #tpu.memory_space<vmem>>) dst(%dma_wait3A_1149 : memref<256x128xf32, #tpu.memory_space<hbm>>)
      } else {
      }
      %add3A_626 = arith.constant 0 : i32
      %add3A_627 = arith.addi %mul3A_620, %add3A_626 : i32
      %get3A_628 = arith.index_cast %add3A_627 : i32 to index
      %get3A_629 = tpu.vector_load %arg4[%get3A_628] {strides = array<i32>} : memref<25600xf32, #tpu.memory_space<vmem>>, vector<16xf32>,
      %sub3A_630 = vector.broadcast %scan3A_77 : f32 to vector<16xf32>
      %sub3A_631 = arith.subf %get3A_629, %sub3A_630 : vector<16xf32>
      %mul3A_632 = vector.broadcast %scan3A_78 : f32 to vector<16xf32>
      %mul3A_633 = arith.mulf %sub3A_631, %mul3A_632 : vector<16xf32>
      %convert_element_type3A_634 = arith.fptosi %mul3A_633 : vector<16xf32> to vector<16xi32>
      %convert_element_type3A_635 = arith.sitofp %convert_element_type3A_634 : vector<16xi32> to vector<16xf32>
      %sub3A_636 = arith.subf %mul3A_633, %convert_element_type3A_635 : vector<16xf32>
      %lt3A_637 = arith.constant 0.000000e+00 : f32
      %lt3A_638 = vector.broadcast %lt3A_637 : f32 to vector<16xf32>
      %lt3A_639 = arith.cmpf olt, %sub3A_636, %lt3A_638 : vector<16xf32>
      %add3A_640 = arith.constant 1.000000e+00 : f32
      %add3A_641 = vector.broadcast %add3A_640 : f32 to vector<16xf32>
      %add3A_642 = arith.addf %sub3A_636, %add3A_641 : vector<16xf32>
      %select_n3A_643 = arith.select %lt3A_639, %add3A_642, %sub3A_636 : vector<16xi1>, vector<16xf32>
      %mul3A_644 = arith.constant 1.280000e+02 : f32
      %mul3A_645 = vector.broadcast %mul3A_644 : f32 to vector<16xf32>
      %mul3A_646 = arith.mulf %select_n3A_643, %mul3A_645 : vector<16xf32>
      %convert_element_type3A_647 = arith.fptosi %mul3A_646 : vector<16xf32> to vector<16xi32>
      %min3A_648 = arith.constant 127 : i32
      %min3A_649 = vector.broadcast %min3A_648 : i32 to vector<16xi32>
      %min3A_650 = arith.minsi %convert_element_type3A_647, %min3A_649 : vector<16xi32>
      %add3A_651 = arith.constant 0 : i32
      %add3A_652 = vector.broadcast %add3A_651 : i32 to vector<16xi32>
      %add3A_653 = arith.addi %iota3A, %add3A_652 : vector<16xi32>
      %get3A_654 = arith.constant 0 : index
      %get3A_655 = tpu.vector_load %arg8[%get3A_654] {strides = array<i32>} : memref<256xi32, #tpu.memory_space<vmem>>, vector<16xi32>,
      tpu.vector_store_idx %arg6[%add3A_653, %get3A_655], %broadcast_in_dim3A_3 : memref<256x128xf32, #tpu.memory_space<vmem>>[vector<16xi32>, vector<16xi32>], vector<16xf32>,
      tpu.vector_store_idx %arg6[%add3A_653, %min3A_650], %broadcast_in_dim3A_5 : memref<256x128xf32, #tpu.memory_space<vmem>>[vector<16xi32>, vector<16xi32>], vector<16xf32>,
      %swap3A_656 = arith.constant 0 : index
      %swap3A_657 = tpu.vector_load %arg8[%swap3A_656] {strides = array<i32>} : memref<256xi32, #tpu.memory_space<vmem>>, vector<16xi32>,
      tpu.vector_store %arg8[%swap3A_656], %min3A_650 {strides = array<i32>} : memref<256xi32, #tpu.memory_space<vmem>>, vector<16xi32>,
      %add3A_658 = arith.constant 16 : i32
      %add3A_659 = arith.addi %mul3A_620, %add3A_658 : i32
      %get3A_660 = arith.index_cast %add3A_659 : i32 to index
      %get3A_661 = tpu.vector_load %arg4[%get3A_660] {strides = array<i32>} : memref<25600xf32, #tpu.memory_space<vmem>>, vector<16xf32>,
      %sub3A_662 = vector.broadcast %scan3A_77 : f32 to vector<16xf32>
      %sub3A_663 = arith.subf %get3A_661, %sub3A_662 : vector<16xf32>
      %mul3A_664 = vector.broadcast %scan3A_78 : f32 to vector<16xf32>
      %mul3A_665 = arith.mulf %sub3A_663, %mul3A_664 : vector<16xf32>
      %convert_element_type3A_666 = arith.fptosi %mul3A_665 : vector<16xf32> to vector<16xi32>
      %convert_element_type3A_667 = arith.sitofp %convert_element_type3A_666 : vector<16xi32> to vector<16xf32>
      %sub3A_668 = arith.subf %mul3A_665, %convert_element_type3A_667 : vector<16xf32>
      %lt3A_669 = arith.constant 0.000000e+00 : f32
      %lt3A_670 = vector.broadcast %lt3A_669 : f32 to vector<16xf32>
      %lt3A_671 = arith.cmpf olt, %sub3A_668, %lt3A_670 : vector<16xf32>
      %add3A_672 = arith.constant 1.000000e+00 : f32
      %add3A_673 = vector.broadcast %add3A_672 : f32 to vector<16xf32>
      %add3A_674 = arith.addf %sub3A_668, %add3A_673 : vector<16xf32>
      %select_n3A_675 = arith.select %lt3A_671, %add3A_674, %sub3A_668 : vector<16xi1>, vector<16xf32>
      %mul3A_676 = arith.constant 1.280000e+02 : f32
      %mul3A_677 = vector.broadcast %mul3A_676 : f32 to vector<16xf32>
      %mul3A_678 = arith.mulf %select_n3A_675, %mul3A_677 : vector<16xf32>
      %convert_element_type3A_679 = arith.fptosi %mul3A_678 : vector<16xf32> to vector<16xi32>
      %min3A_680 = arith.constant 127 : i32
      %min3A_681 = vector.broadcast %min3A_680 : i32 to vector<16xi32>
      %min3A_682 = arith.minsi %convert_element_type3A_679, %min3A_681 : vector<16xi32>
      %add3A_683 = arith.constant 16 : i32
      %add3A_684 = vector.broadcast %add3A_683 : i32 to vector<16xi32>
      %add3A_685 = arith.addi %iota3A, %add3A_684 : vector<16xi32>
      %get3A_686 = arith.constant 16 : index
      %get3A_687 = tpu.vector_load %arg8[%get3A_686] {strides = array<i32>} : memref<256xi32, #tpu.memory_space<vmem>>, vector<16xi32>,
      tpu.vector_store_idx %arg6[%add3A_685, %get3A_687], %broadcast_in_dim3A_3 : memref<256x128xf32, #tpu.memory_space<vmem>>[vector<16xi32>, vector<16xi32>], vector<16xf32>,
      tpu.vector_store_idx %arg6[%add3A_685, %min3A_682], %broadcast_in_dim3A_5 : memref<256x128xf32, #tpu.memory_space<vmem>>[vector<16xi32>, vector<16xi32>], vector<16xf32>,
      %swap3A_688 = arith.constant 16 : index
      %swap3A_689 = tpu.vector_load %arg8[%swap3A_688] {strides = array<i32>} : memref<256xi32, #tpu.memory_space<vmem>>, vector<16xi32>,
      tpu.vector_store %arg8[%swap3A_688], %min3A_682 {strides = array<i32>} : memref<256xi32, #tpu.memory_space<vmem>>, vector<16xi32>,
      %add3A_690 = arith.constant 32 : i32
      %add3A_691 = arith.addi %mul3A_620, %add3A_690 : i32
      %get3A_692 = arith.index_cast %add3A_691 : i32 to index
      %get3A_693 = tpu.vector_load %arg4[%get3A_692] {strides = array<i32>} : memref<25600xf32, #tpu.memory_space<vmem>>, vector<16xf32>,
      %sub3A_694 = vector.broadcast %scan3A_77 : f32 to vector<16xf32>
      %sub3A_695 = arith.subf %get3A_693, %sub3A_694 : vector<16xf32>
      %mul3A_696 = vector.broadcast %scan3A_78 : f32 to vector<16xf32>
      %mul3A_697 = arith.mulf %sub3A_695, %mul3A_696 : vector<16xf32>
      %convert_element_type3A_698 = arith.fptosi %mul3A_697 : vector<16xf32> to vector<16xi32>
      %convert_element_type3A_699 = arith.sitofp %convert_element_type3A_698 : vector<16xi32> to vector<16xf32>
      %sub3A_700 = arith.subf %mul3A_697, %convert_element_type3A_699 : vector<16xf32>
      %lt3A_701 = arith.constant 0.000000e+00 : f32
      %lt3A_702 = vector.broadcast %lt3A_701 : f32 to vector<16xf32>
      %lt3A_703 = arith.cmpf olt, %sub3A_700, %lt3A_702 : vector<16xf32>
      %add3A_704 = arith.constant 1.000000e+00 : f32
      %add3A_705 = vector.broadcast %add3A_704 : f32 to vector<16xf32>
      %add3A_706 = arith.addf %sub3A_700, %add3A_705 : vector<16xf32>
      %select_n3A_707 = arith.select %lt3A_703, %add3A_706, %sub3A_700 : vector<16xi1>, vector<16xf32>
      %mul3A_708 = arith.constant 1.280000e+02 : f32
      %mul3A_709 = vector.broadcast %mul3A_708 : f32 to vector<16xf32>
      %mul3A_710 = arith.mulf %select_n3A_707, %mul3A_709 : vector<16xf32>
      %convert_element_type3A_711 = arith.fptosi %mul3A_710 : vector<16xf32> to vector<16xi32>
      %min3A_712 = arith.constant 127 : i32
      %min3A_713 = vector.broadcast %min3A_712 : i32 to vector<16xi32>
      %min3A_714 = arith.minsi %convert_element_type3A_711, %min3A_713 : vector<16xi32>
      %add3A_715 = arith.constant 32 : i32
      %add3A_716 = vector.broadcast %add3A_715 : i32 to vector<16xi32>
      %add3A_717 = arith.addi %iota3A, %add3A_716 : vector<16xi32>
      %get3A_718 = arith.constant 32 : index
      %get3A_719 = tpu.vector_load %arg8[%get3A_718] {strides = array<i32>} : memref<256xi32, #tpu.memory_space<vmem>>, vector<16xi32>,
      tpu.vector_store_idx %arg6[%add3A_717, %get3A_719], %broadcast_in_dim3A_3 : memref<256x128xf32, #tpu.memory_space<vmem>>[vector<16xi32>, vector<16xi32>], vector<16xf32>,
      tpu.vector_store_idx %arg6[%add3A_717, %min3A_714], %broadcast_in_dim3A_5 : memref<256x128xf32, #tpu.memory_space<vmem>>[vector<16xi32>, vector<16xi32>], vector<16xf32>,
      %swap3A_720 = arith.constant 32 : index
      %swap3A_721 = tpu.vector_load %arg8[%swap3A_720] {strides = array<i32>} : memref<256xi32, #tpu.memory_space<vmem>>, vector<16xi32>,
      tpu.vector_store %arg8[%swap3A_720], %min3A_714 {strides = array<i32>} : memref<256xi32, #tpu.memory_space<vmem>>, vector<16xi32>,
      %add3A_722 = arith.constant 48 : i32
      %add3A_723 = arith.addi %mul3A_620, %add3A_722 : i32
      %get3A_724 = arith.index_cast %add3A_723 : i32 to index
      %get3A_725 = tpu.vector_load %arg4[%get3A_724] {strides = array<i32>} : memref<25600xf32, #tpu.memory_space<vmem>>, vector<16xf32>,
      %sub3A_726 = vector.broadcast %scan3A_77 : f32 to vector<16xf32>
      %sub3A_727 = arith.subf %get3A_725, %sub3A_726 : vector<16xf32>
      %mul3A_728 = vector.broadcast %scan3A_78 : f32 to vector<16xf32>
      %mul3A_729 = arith.mulf %sub3A_727, %mul3A_728 : vector<16xf32>
      %convert_element_type3A_730 = arith.fptosi %mul3A_729 : vector<16xf32> to vector<16xi32>
      %convert_element_type3A_731 = arith.sitofp %convert_element_type3A_730 : vector<16xi32> to vector<16xf32>
      %sub3A_732 = arith.subf %mul3A_729, %convert_element_type3A_731 : vector<16xf32>
      %lt3A_733 = arith.constant 0.000000e+00 : f32
      %lt3A_734 = vector.broadcast %lt3A_733 : f32 to vector<16xf32>
      %lt3A_735 = arith.cmpf olt, %sub3A_732, %lt3A_734 : vector<16xf32>
      %add3A_736 = arith.constant 1.000000e+00 : f32
      %add3A_737 = vector.broadcast %add3A_736 : f32 to vector<16xf32>
      %add3A_738 = arith.addf %sub3A_732, %add3A_737 : vector<16xf32>
      %select_n3A_739 = arith.select %lt3A_735, %add3A_738, %sub3A_732 : vector<16xi1>, vector<16xf32>
      %mul3A_740 = arith.constant 1.280000e+02 : f32
      %mul3A_741 = vector.broadcast %mul3A_740 : f32 to vector<16xf32>
      %mul3A_742 = arith.mulf %select_n3A_739, %mul3A_741 : vector<16xf32>
      %convert_element_type3A_743 = arith.fptosi %mul3A_742 : vector<16xf32> to vector<16xi32>
      %min3A_744 = arith.constant 127 : i32
      %min3A_745 = vector.broadcast %min3A_744 : i32 to vector<16xi32>
      %min3A_746 = arith.minsi %convert_element_type3A_743, %min3A_745 : vector<16xi32>
      %add3A_747 = arith.constant 48 : i32
      %add3A_748 = vector.broadcast %add3A_747 : i32 to vector<16xi32>
      %add3A_749 = arith.addi %iota3A, %add3A_748 : vector<16xi32>
      %get3A_750 = arith.constant 48 : index
      %get3A_751 = tpu.vector_load %arg8[%get3A_750] {strides = array<i32>} : memref<256xi32, #tpu.memory_space<vmem>>, vector<16xi32>,
      tpu.vector_store_idx %arg6[%add3A_749, %get3A_751], %broadcast_in_dim3A_3 : memref<256x128xf32, #tpu.memory_space<vmem>>[vector<16xi32>, vector<16xi32>], vector<16xf32>,
      tpu.vector_store_idx %arg6[%add3A_749, %min3A_746], %broadcast_in_dim3A_5 : memref<256x128xf32, #tpu.memory_space<vmem>>[vector<16xi32>, vector<16xi32>], vector<16xf32>,
      %swap3A_752 = arith.constant 48 : index
      %swap3A_753 = tpu.vector_load %arg8[%swap3A_752] {strides = array<i32>} : memref<256xi32, #tpu.memory_space<vmem>>, vector<16xi32>,
      tpu.vector_store %arg8[%swap3A_752], %min3A_746 {strides = array<i32>} : memref<256xi32, #tpu.memory_space<vmem>>, vector<16xi32>,
      %add3A_754 = arith.constant 64 : i32
      %add3A_755 = arith.addi %mul3A_620, %add3A_754 : i32
      %get3A_756 = arith.index_cast %add3A_755 : i32 to index
      %get3A_757 = tpu.vector_load %arg4[%get3A_756] {strides = array<i32>} : memref<25600xf32, #tpu.memory_space<vmem>>, vector<16xf32>,
      %sub3A_758 = vector.broadcast %scan3A_77 : f32 to vector<16xf32>
      %sub3A_759 = arith.subf %get3A_757, %sub3A_758 : vector<16xf32>
      %mul3A_760 = vector.broadcast %scan3A_78 : f32 to vector<16xf32>
      %mul3A_761 = arith.mulf %sub3A_759, %mul3A_760 : vector<16xf32>
      %convert_element_type3A_762 = arith.fptosi %mul3A_761 : vector<16xf32> to vector<16xi32>
      %convert_element_type3A_763 = arith.sitofp %convert_element_type3A_762 : vector<16xi32> to vector<16xf32>
      %sub3A_764 = arith.subf %mul3A_761, %convert_element_type3A_763 : vector<16xf32>
      %lt3A_765 = arith.constant 0.000000e+00 : f32
      %lt3A_766 = vector.broadcast %lt3A_765 : f32 to vector<16xf32>
      %lt3A_767 = arith.cmpf olt, %sub3A_764, %lt3A_766 : vector<16xf32>
      %add3A_768 = arith.constant 1.000000e+00 : f32
      %add3A_769 = vector.broadcast %add3A_768 : f32 to vector<16xf32>
      %add3A_770 = arith.addf %sub3A_764, %add3A_769 : vector<16xf32>
      %select_n3A_771 = arith.select %lt3A_767, %add3A_770, %sub3A_764 : vector<16xi1>, vector<16xf32>
      %mul3A_772 = arith.constant 1.280000e+02 : f32
      %mul3A_773 = vector.broadcast %mul3A_772 : f32 to vector<16xf32>
      %mul3A_774 = arith.mulf %select_n3A_771, %mul3A_773 : vector<16xf32>
      %convert_element_type3A_775 = arith.fptosi %mul3A_774 : vector<16xf32> to vector<16xi32>
      %min3A_776 = arith.constant 127 : i32
      %min3A_777 = vector.broadcast %min3A_776 : i32 to vector<16xi32>
      %min3A_778 = arith.minsi %convert_element_type3A_775, %min3A_777 : vector<16xi32>
      %add3A_779 = arith.constant 64 : i32
      %add3A_780 = vector.broadcast %add3A_779 : i32 to vector<16xi32>
      %add3A_781 = arith.addi %iota3A, %add3A_780 : vector<16xi32>
      %get3A_782 = arith.constant 64 : index
      %get3A_783 = tpu.vector_load %arg8[%get3A_782] {strides = array<i32>} : memref<256xi32, #tpu.memory_space<vmem>>, vector<16xi32>,
      tpu.vector_store_idx %arg6[%add3A_781, %get3A_783], %broadcast_in_dim3A_3 : memref<256x128xf32, #tpu.memory_space<vmem>>[vector<16xi32>, vector<16xi32>], vector<16xf32>,
      tpu.vector_store_idx %arg6[%add3A_781, %min3A_778], %broadcast_in_dim3A_5 : memref<256x128xf32, #tpu.memory_space<vmem>>[vector<16xi32>, vector<16xi32>], vector<16xf32>,
      %swap3A_784 = arith.constant 64 : index
      %swap3A_785 = tpu.vector_load %arg8[%swap3A_784] {strides = array<i32>} : memref<256xi32, #tpu.memory_space<vmem>>, vector<16xi32>,
      tpu.vector_store %arg8[%swap3A_784], %min3A_778 {strides = array<i32>} : memref<256xi32, #tpu.memory_space<vmem>>, vector<16xi32>,
      %add3A_786 = arith.constant 80 : i32
      %add3A_787 = arith.addi %mul3A_620, %add3A_786 : i32
      %get3A_788 = arith.index_cast %add3A_787 : i32 to index
      %get3A_789 = tpu.vector_load %arg4[%get3A_788] {strides = array<i32>} : memref<25600xf32, #tpu.memory_space<vmem>>, vector<16xf32>,
      %sub3A_790 = vector.broadcast %scan3A_77 : f32 to vector<16xf32>
      %sub3A_791 = arith.subf %get3A_789, %sub3A_790 : vector<16xf32>
      %mul3A_792 = vector.broadcast %scan3A_78 : f32 to vector<16xf32>
      %mul3A_793 = arith.mulf %sub3A_791, %mul3A_792 : vector<16xf32>
      %convert_element_type3A_794 = arith.fptosi %mul3A_793 : vector<16xf32> to vector<16xi32>
      %convert_element_type3A_795 = arith.sitofp %convert_element_type3A_794 : vector<16xi32> to vector<16xf32>
      %sub3A_796 = arith.subf %mul3A_793, %convert_element_type3A_795 : vector<16xf32>
      %lt3A_797 = arith.constant 0.000000e+00 : f32
      %lt3A_798 = vector.broadcast %lt3A_797 : f32 to vector<16xf32>
      %lt3A_799 = arith.cmpf olt, %sub3A_796, %lt3A_798 : vector<16xf32>
      %add3A_800 = arith.constant 1.000000e+00 : f32
      %add3A_801 = vector.broadcast %add3A_800 : f32 to vector<16xf32>
      %add3A_802 = arith.addf %sub3A_796, %add3A_801 : vector<16xf32>
      %select_n3A_803 = arith.select %lt3A_799, %add3A_802, %sub3A_796 : vector<16xi1>, vector<16xf32>
      %mul3A_804 = arith.constant 1.280000e+02 : f32
      %mul3A_805 = vector.broadcast %mul3A_804 : f32 to vector<16xf32>
      %mul3A_806 = arith.mulf %select_n3A_803, %mul3A_805 : vector<16xf32>
      %convert_element_type3A_807 = arith.fptosi %mul3A_806 : vector<16xf32> to vector<16xi32>
      %min3A_808 = arith.constant 127 : i32
      %min3A_809 = vector.broadcast %min3A_808 : i32 to vector<16xi32>
      %min3A_810 = arith.minsi %convert_element_type3A_807, %min3A_809 : vector<16xi32>
      %add3A_811 = arith.constant 80 : i32
      %add3A_812 = vector.broadcast %add3A_811 : i32 to vector<16xi32>
      %add3A_813 = arith.addi %iota3A, %add3A_812 : vector<16xi32>
      %get3A_814 = arith.constant 80 : index
      %get3A_815 = tpu.vector_load %arg8[%get3A_814] {strides = array<i32>} : memref<256xi32, #tpu.memory_space<vmem>>, vector<16xi32>,
      tpu.vector_store_idx %arg6[%add3A_813, %get3A_815], %broadcast_in_dim3A_3 : memref<256x128xf32, #tpu.memory_space<vmem>>[vector<16xi32>, vector<16xi32>], vector<16xf32>,
      tpu.vector_store_idx %arg6[%add3A_813, %min3A_810], %broadcast_in_dim3A_5 : memref<256x128xf32, #tpu.memory_space<vmem>>[vector<16xi32>, vector<16xi32>], vector<16xf32>,
      %swap3A_816 = arith.constant 80 : index
      %swap3A_817 = tpu.vector_load %arg8[%swap3A_816] {strides = array<i32>} : memref<256xi32, #tpu.memory_space<vmem>>, vector<16xi32>,
      tpu.vector_store %arg8[%swap3A_816], %min3A_810 {strides = array<i32>} : memref<256xi32, #tpu.memory_space<vmem>>, vector<16xi32>,
      %add3A_818 = arith.constant 96 : i32
      %add3A_819 = arith.addi %mul3A_620, %add3A_818 : i32
      %get3A_820 = arith.index_cast %add3A_819 : i32 to index
      %get3A_821 = tpu.vector_load %arg4[%get3A_820] {strides = array<i32>} : memref<25600xf32, #tpu.memory_space<vmem>>, vector<16xf32>,
      %sub3A_822 = vector.broadcast %scan3A_77 : f32 to vector<16xf32>
      %sub3A_823 = arith.subf %get3A_821, %sub3A_822 : vector<16xf32>
      %mul3A_824 = vector.broadcast %scan3A_78 : f32 to vector<16xf32>
      %mul3A_825 = arith.mulf %sub3A_823, %mul3A_824 : vector<16xf32>
      %convert_element_type3A_826 = arith.fptosi %mul3A_825 : vector<16xf32> to vector<16xi32>
      %convert_element_type3A_827 = arith.sitofp %convert_element_type3A_826 : vector<16xi32> to vector<16xf32>
      %sub3A_828 = arith.subf %mul3A_825, %convert_element_type3A_827 : vector<16xf32>
      %lt3A_829 = arith.constant 0.000000e+00 : f32
      %lt3A_830 = vector.broadcast %lt3A_829 : f32 to vector<16xf32>
      %lt3A_831 = arith.cmpf olt, %sub3A_828, %lt3A_830 : vector<16xf32>
      %add3A_832 = arith.constant 1.000000e+00 : f32
      %add3A_833 = vector.broadcast %add3A_832 : f32 to vector<16xf32>
      %add3A_834 = arith.addf %sub3A_828, %add3A_833 : vector<16xf32>
      %select_n3A_835 = arith.select %lt3A_831, %add3A_834, %sub3A_828 : vector<16xi1>, vector<16xf32>
      %mul3A_836 = arith.constant 1.280000e+02 : f32
      %mul3A_837 = vector.broadcast %mul3A_836 : f32 to vector<16xf32>
      %mul3A_838 = arith.mulf %select_n3A_835, %mul3A_837 : vector<16xf32>
      %convert_element_type3A_839 = arith.fptosi %mul3A_838 : vector<16xf32> to vector<16xi32>
      %min3A_840 = arith.constant 127 : i32
      %min3A_841 = vector.broadcast %min3A_840 : i32 to vector<16xi32>
      %min3A_842 = arith.minsi %convert_element_type3A_839, %min3A_841 : vector<16xi32>
      %add3A_843 = arith.constant 96 : i32
      %add3A_844 = vector.broadcast %add3A_843 : i32 to vector<16xi32>
      %add3A_845 = arith.addi %iota3A, %add3A_844 : vector<16xi32>
      %get3A_846 = arith.constant 96 : index
      %get3A_847 = tpu.vector_load %arg8[%get3A_846] {strides = array<i32>} : memref<256xi32, #tpu.memory_space<vmem>>, vector<16xi32>,
      tpu.vector_store_idx %arg6[%add3A_845, %get3A_847], %broadcast_in_dim3A_3 : memref<256x128xf32, #tpu.memory_space<vmem>>[vector<16xi32>, vector<16xi32>], vector<16xf32>,
      tpu.vector_store_idx %arg6[%add3A_845, %min3A_842], %broadcast_in_dim3A_5 : memref<256x128xf32, #tpu.memory_space<vmem>>[vector<16xi32>, vector<16xi32>], vector<16xf32>,
      %swap3A_848 = arith.constant 96 : index
      %swap3A_849 = tpu.vector_load %arg8[%swap3A_848] {strides = array<i32>} : memref<256xi32, #tpu.memory_space<vmem>>, vector<16xi32>,
      tpu.vector_store %arg8[%swap3A_848], %min3A_842 {strides = array<i32>} : memref<256xi32, #tpu.memory_space<vmem>>, vector<16xi32>,
      %add3A_850 = arith.constant 112 : i32
      %add3A_851 = arith.addi %mul3A_620, %add3A_850 : i32
      %get3A_852 = arith.index_cast %add3A_851 : i32 to index
      %get3A_853 = tpu.vector_load %arg4[%get3A_852] {strides = array<i32>} : memref<25600xf32, #tpu.memory_space<vmem>>, vector<16xf32>,
      %sub3A_854 = vector.broadcast %scan3A_77 : f32 to vector<16xf32>
      %sub3A_855 = arith.subf %get3A_853, %sub3A_854 : vector<16xf32>
      %mul3A_856 = vector.broadcast %scan3A_78 : f32 to vector<16xf32>
      %mul3A_857 = arith.mulf %sub3A_855, %mul3A_856 : vector<16xf32>
      %convert_element_type3A_858 = arith.fptosi %mul3A_857 : vector<16xf32> to vector<16xi32>
      %convert_element_type3A_859 = arith.sitofp %convert_element_type3A_858 : vector<16xi32> to vector<16xf32>
      %sub3A_860 = arith.subf %mul3A_857, %convert_element_type3A_859 : vector<16xf32>
      %lt3A_861 = arith.constant 0.000000e+00 : f32
      %lt3A_862 = vector.broadcast %lt3A_861 : f32 to vector<16xf32>
      %lt3A_863 = arith.cmpf olt, %sub3A_860, %lt3A_862 : vector<16xf32>
      %add3A_864 = arith.constant 1.000000e+00 : f32
      %add3A_865 = vector.broadcast %add3A_864 : f32 to vector<16xf32>
      %add3A_866 = arith.addf %sub3A_860, %add3A_865 : vector<16xf32>
      %select_n3A_867 = arith.select %lt3A_863, %add3A_866, %sub3A_860 : vector<16xi1>, vector<16xf32>
      %mul3A_868 = arith.constant 1.280000e+02 : f32
      %mul3A_869 = vector.broadcast %mul3A_868 : f32 to vector<16xf32>
      %mul3A_870 = arith.mulf %select_n3A_867, %mul3A_869 : vector<16xf32>
      %convert_element_type3A_871 = arith.fptosi %mul3A_870 : vector<16xf32> to vector<16xi32>
      %min3A_872 = arith.constant 127 : i32
      %min3A_873 = vector.broadcast %min3A_872 : i32 to vector<16xi32>
      %min3A_874 = arith.minsi %convert_element_type3A_871, %min3A_873 : vector<16xi32>
      %add3A_875 = arith.constant 112 : i32
      %add3A_876 = vector.broadcast %add3A_875 : i32 to vector<16xi32>
      %add3A_877 = arith.addi %iota3A, %add3A_876 : vector<16xi32>
      %get3A_878 = arith.constant 112 : index
      %get3A_879 = tpu.vector_load %arg8[%get3A_878] {strides = array<i32>} : memref<256xi32, #tpu.memory_space<vmem>>, vector<16xi32>,
      tpu.vector_store_idx %arg6[%add3A_877, %get3A_879], %broadcast_in_dim3A_3 : memref<256x128xf32, #tpu.memory_space<vmem>>[vector<16xi32>, vector<16xi32>], vector<16xf32>,
      tpu.vector_store_idx %arg6[%add3A_877, %min3A_874], %broadcast_in_dim3A_5 : memref<256x128xf32, #tpu.memory_space<vmem>>[vector<16xi32>, vector<16xi32>], vector<16xf32>,
      %swap3A_880 = arith.constant 112 : index
      %swap3A_881 = tpu.vector_load %arg8[%swap3A_880] {strides = array<i32>} : memref<256xi32, #tpu.memory_space<vmem>>, vector<16xi32>,
      tpu.vector_store %arg8[%swap3A_880], %min3A_874 {strides = array<i32>} : memref<256xi32, #tpu.memory_space<vmem>>, vector<16xi32>,
      %add3A_882 = arith.constant 128 : i32
      %add3A_883 = arith.addi %mul3A_620, %add3A_882 : i32
      %get3A_884 = arith.index_cast %add3A_883 : i32 to index
      %get3A_885 = tpu.vector_load %arg4[%get3A_884] {strides = array<i32>} : memref<25600xf32, #tpu.memory_space<vmem>>, vector<16xf32>,
      %sub3A_886 = vector.broadcast %scan3A_77 : f32 to vector<16xf32>
      %sub3A_887 = arith.subf %get3A_885, %sub3A_886 : vector<16xf32>
      %mul3A_888 = vector.broadcast %scan3A_78 : f32 to vector<16xf32>
      %mul3A_889 = arith.mulf %sub3A_887, %mul3A_888 : vector<16xf32>
      %convert_element_type3A_890 = arith.fptosi %mul3A_889 : vector<16xf32> to vector<16xi32>
      %convert_element_type3A_891 = arith.sitofp %convert_element_type3A_890 : vector<16xi32> to vector<16xf32>
      %sub3A_892 = arith.subf %mul3A_889, %convert_element_type3A_891 : vector<16xf32>
      %lt3A_893 = arith.constant 0.000000e+00 : f32
      %lt3A_894 = vector.broadcast %lt3A_893 : f32 to vector<16xf32>
      %lt3A_895 = arith.cmpf olt, %sub3A_892, %lt3A_894 : vector<16xf32>
      %add3A_896 = arith.constant 1.000000e+00 : f32
      %add3A_897 = vector.broadcast %add3A_896 : f32 to vector<16xf32>
      %add3A_898 = arith.addf %sub3A_892, %add3A_897 : vector<16xf32>
      %select_n3A_899 = arith.select %lt3A_895, %add3A_898, %sub3A_892 : vector<16xi1>, vector<16xf32>
      %mul3A_900 = arith.constant 1.280000e+02 : f32
      %mul3A_901 = vector.broadcast %mul3A_900 : f32 to vector<16xf32>
      %mul3A_902 = arith.mulf %select_n3A_899, %mul3A_901 : vector<16xf32>
      %convert_element_type3A_903 = arith.fptosi %mul3A_902 : vector<16xf32> to vector<16xi32>
      %min3A_904 = arith.constant 127 : i32
      %min3A_905 = vector.broadcast %min3A_904 : i32 to vector<16xi32>
      %min3A_906 = arith.minsi %convert_element_type3A_903, %min3A_905 : vector<16xi32>
      %add3A_907 = arith.constant 128 : i32
      %add3A_908 = vector.broadcast %add3A_907 : i32 to vector<16xi32>
      %add3A_909 = arith.addi %iota3A, %add3A_908 : vector<16xi32>
      %get3A_910 = arith.constant 128 : index
      %get3A_911 = tpu.vector_load %arg8[%get3A_910] {strides = array<i32>} : memref<256xi32, #tpu.memory_space<vmem>>, vector<16xi32>,
      tpu.vector_store_idx %arg6[%add3A_909, %get3A_911], %broadcast_in_dim3A_3 : memref<256x128xf32, #tpu.memory_space<vmem>>[vector<16xi32>, vector<16xi32>], vector<16xf32>,
      tpu.vector_store_idx %arg6[%add3A_909, %min3A_906], %broadcast_in_dim3A_5 : memref<256x128xf32, #tpu.memory_space<vmem>>[vector<16xi32>, vector<16xi32>], vector<16xf32>,
      %swap3A_912 = arith.constant 128 : index
      %swap3A_913 = tpu.vector_load %arg8[%swap3A_912] {strides = array<i32>} : memref<256xi32, #tpu.memory_space<vmem>>, vector<16xi32>,
      tpu.vector_store %arg8[%swap3A_912], %min3A_906 {strides = array<i32>} : memref<256xi32, #tpu.memory_space<vmem>>, vector<16xi32>,
      %add3A_914 = arith.constant 144 : i32
      %add3A_915 = arith.addi %mul3A_620, %add3A_914 : i32
      %get3A_916 = arith.index_cast %add3A_915 : i32 to index
      %get3A_917 = tpu.vector_load %arg4[%get3A_916] {strides = array<i32>} : memref<25600xf32, #tpu.memory_space<vmem>>, vector<16xf32>,
      %sub3A_918 = vector.broadcast %scan3A_77 : f32 to vector<16xf32>
      %sub3A_919 = arith.subf %get3A_917, %sub3A_918 : vector<16xf32>
      %mul3A_920 = vector.broadcast %scan3A_78 : f32 to vector<16xf32>
      %mul3A_921 = arith.mulf %sub3A_919, %mul3A_920 : vector<16xf32>
      %convert_element_type3A_922 = arith.fptosi %mul3A_921 : vector<16xf32> to vector<16xi32>
      %convert_element_type3A_923 = arith.sitofp %convert_element_type3A_922 : vector<16xi32> to vector<16xf32>
      %sub3A_924 = arith.subf %mul3A_921, %convert_element_type3A_923 : vector<16xf32>
      %lt3A_925 = arith.constant 0.000000e+00 : f32
      %lt3A_926 = vector.broadcast %lt3A_925 : f32 to vector<16xf32>
      %lt3A_927 = arith.cmpf olt, %sub3A_924, %lt3A_926 : vector<16xf32>
      %add3A_928 = arith.constant 1.000000e+00 : f32
      %add3A_929 = vector.broadcast %add3A_928 : f32 to vector<16xf32>
      %add3A_930 = arith.addf %sub3A_924, %add3A_929 : vector<16xf32>
      %select_n3A_931 = arith.select %lt3A_927, %add3A_930, %sub3A_924 : vector<16xi1>, vector<16xf32>
      %mul3A_932 = arith.constant 1.280000e+02 : f32
      %mul3A_933 = vector.broadcast %mul3A_932 : f32 to vector<16xf32>
      %mul3A_934 = arith.mulf %select_n3A_931, %mul3A_933 : vector<16xf32>
      %convert_element_type3A_935 = arith.fptosi %mul3A_934 : vector<16xf32> to vector<16xi32>
      %min3A_936 = arith.constant 127 : i32
      %min3A_937 = vector.broadcast %min3A_936 : i32 to vector<16xi32>
      %min3A_938 = arith.minsi %convert_element_type3A_935, %min3A_937 : vector<16xi32>
      %add3A_939 = arith.constant 144 : i32
      %add3A_940 = vector.broadcast %add3A_939 : i32 to vector<16xi32>
      %add3A_941 = arith.addi %iota3A, %add3A_940 : vector<16xi32>
      %get3A_942 = arith.constant 144 : index
      %get3A_943 = tpu.vector_load %arg8[%get3A_942] {strides = array<i32>} : memref<256xi32, #tpu.memory_space<vmem>>, vector<16xi32>,
      tpu.vector_store_idx %arg6[%add3A_941, %get3A_943], %broadcast_in_dim3A_3 : memref<256x128xf32, #tpu.memory_space<vmem>>[vector<16xi32>, vector<16xi32>], vector<16xf32>,
      tpu.vector_store_idx %arg6[%add3A_941, %min3A_938], %broadcast_in_dim3A_5 : memref<256x128xf32, #tpu.memory_space<vmem>>[vector<16xi32>, vector<16xi32>], vector<16xf32>,
      %swap3A_944 = arith.constant 144 : index
      %swap3A_945 = tpu.vector_load %arg8[%swap3A_944] {strides = array<i32>} : memref<256xi32, #tpu.memory_space<vmem>>, vector<16xi32>,
      tpu.vector_store %arg8[%swap3A_944], %min3A_938 {strides = array<i32>} : memref<256xi32, #tpu.memory_space<vmem>>, vector<16xi32>,
      %add3A_946 = arith.constant 160 : i32
      %add3A_947 = arith.addi %mul3A_620, %add3A_946 : i32
      %get3A_948 = arith.index_cast %add3A_947 : i32 to index
      %get3A_949 = tpu.vector_load %arg4[%get3A_948] {strides = array<i32>} : memref<25600xf32, #tpu.memory_space<vmem>>, vector<16xf32>,
      %sub3A_950 = vector.broadcast %scan3A_77 : f32 to vector<16xf32>
      %sub3A_951 = arith.subf %get3A_949, %sub3A_950 : vector<16xf32>
      %mul3A_952 = vector.broadcast %scan3A_78 : f32 to vector<16xf32>
      %mul3A_953 = arith.mulf %sub3A_951, %mul3A_952 : vector<16xf32>
      %convert_element_type3A_954 = arith.fptosi %mul3A_953 : vector<16xf32> to vector<16xi32>
      %convert_element_type3A_955 = arith.sitofp %convert_element_type3A_954 : vector<16xi32> to vector<16xf32>
      %sub3A_956 = arith.subf %mul3A_953, %convert_element_type3A_955 : vector<16xf32>
      %lt3A_957 = arith.constant 0.000000e+00 : f32
      %lt3A_958 = vector.broadcast %lt3A_957 : f32 to vector<16xf32>
      %lt3A_959 = arith.cmpf olt, %sub3A_956, %lt3A_958 : vector<16xf32>
      %add3A_960 = arith.constant 1.000000e+00 : f32
      %add3A_961 = vector.broadcast %add3A_960 : f32 to vector<16xf32>
      %add3A_962 = arith.addf %sub3A_956, %add3A_961 : vector<16xf32>
      %select_n3A_963 = arith.select %lt3A_959, %add3A_962, %sub3A_956 : vector<16xi1>, vector<16xf32>
      %mul3A_964 = arith.constant 1.280000e+02 : f32
      %mul3A_965 = vector.broadcast %mul3A_964 : f32 to vector<16xf32>
      %mul3A_966 = arith.mulf %select_n3A_963, %mul3A_965 : vector<16xf32>
      %convert_element_type3A_967 = arith.fptosi %mul3A_966 : vector<16xf32> to vector<16xi32>
      %min3A_968 = arith.constant 127 : i32
      %min3A_969 = vector.broadcast %min3A_968 : i32 to vector<16xi32>
      %min3A_970 = arith.minsi %convert_element_type3A_967, %min3A_969 : vector<16xi32>
      %add3A_971 = arith.constant 160 : i32
      %add3A_972 = vector.broadcast %add3A_971 : i32 to vector<16xi32>
      %add3A_973 = arith.addi %iota3A, %add3A_972 : vector<16xi32>
      %get3A_974 = arith.constant 160 : index
      %get3A_975 = tpu.vector_load %arg8[%get3A_974] {strides = array<i32>} : memref<256xi32, #tpu.memory_space<vmem>>, vector<16xi32>,
      tpu.vector_store_idx %arg6[%add3A_973, %get3A_975], %broadcast_in_dim3A_3 : memref<256x128xf32, #tpu.memory_space<vmem>>[vector<16xi32>, vector<16xi32>], vector<16xf32>,
      tpu.vector_store_idx %arg6[%add3A_973, %min3A_970], %broadcast_in_dim3A_5 : memref<256x128xf32, #tpu.memory_space<vmem>>[vector<16xi32>, vector<16xi32>], vector<16xf32>,
      %swap3A_976 = arith.constant 160 : index
      %swap3A_977 = tpu.vector_load %arg8[%swap3A_976] {strides = array<i32>} : memref<256xi32, #tpu.memory_space<vmem>>, vector<16xi32>,
      tpu.vector_store %arg8[%swap3A_976], %min3A_970 {strides = array<i32>} : memref<256xi32, #tpu.memory_space<vmem>>, vector<16xi32>,
      %add3A_978 = arith.constant 176 : i32
      %add3A_979 = arith.addi %mul3A_620, %add3A_978 : i32
      %get3A_980 = arith.index_cast %add3A_979 : i32 to index
      %get3A_981 = tpu.vector_load %arg4[%get3A_980] {strides = array<i32>} : memref<25600xf32, #tpu.memory_space<vmem>>, vector<16xf32>,
      %sub3A_982 = vector.broadcast %scan3A_77 : f32 to vector<16xf32>
      %sub3A_983 = arith.subf %get3A_981, %sub3A_982 : vector<16xf32>
      %mul3A_984 = vector.broadcast %scan3A_78 : f32 to vector<16xf32>
      %mul3A_985 = arith.mulf %sub3A_983, %mul3A_984 : vector<16xf32>
      %convert_element_type3A_986 = arith.fptosi %mul3A_985 : vector<16xf32> to vector<16xi32>
      %convert_element_type3A_987 = arith.sitofp %convert_element_type3A_986 : vector<16xi32> to vector<16xf32>
      %sub3A_988 = arith.subf %mul3A_985, %convert_element_type3A_987 : vector<16xf32>
      %lt3A_989 = arith.constant 0.000000e+00 : f32
      %lt3A_990 = vector.broadcast %lt3A_989 : f32 to vector<16xf32>
      %lt3A_991 = arith.cmpf olt, %sub3A_988, %lt3A_990 : vector<16xf32>
      %add3A_992 = arith.constant 1.000000e+00 : f32
      %add3A_993 = vector.broadcast %add3A_992 : f32 to vector<16xf32>
      %add3A_994 = arith.addf %sub3A_988, %add3A_993 : vector<16xf32>
      %select_n3A_995 = arith.select %lt3A_991, %add3A_994, %sub3A_988 : vector<16xi1>, vector<16xf32>
      %mul3A_996 = arith.constant 1.280000e+02 : f32
      %mul3A_997 = vector.broadcast %mul3A_996 : f32 to vector<16xf32>
      %mul3A_998 = arith.mulf %select_n3A_995, %mul3A_997 : vector<16xf32>
      %convert_element_type3A_999 = arith.fptosi %mul3A_998 : vector<16xf32> to vector<16xi32>
      %min3A_1000 = arith.constant 127 : i32
      %min3A_1001 = vector.broadcast %min3A_1000 : i32 to vector<16xi32>
      %min3A_1002 = arith.minsi %convert_element_type3A_999, %min3A_1001 : vector<16xi32>
      %add3A_1003 = arith.constant 176 : i32
      %add3A_1004 = vector.broadcast %add3A_1003 : i32 to vector<16xi32>
      %add3A_1005 = arith.addi %iota3A, %add3A_1004 : vector<16xi32>
      %get3A_1006 = arith.constant 176 : index
      %get3A_1007 = tpu.vector_load %arg8[%get3A_1006] {strides = array<i32>} : memref<256xi32, #tpu.memory_space<vmem>>, vector<16xi32>,
      tpu.vector_store_idx %arg6[%add3A_1005, %get3A_1007], %broadcast_in_dim3A_3 : memref<256x128xf32, #tpu.memory_space<vmem>>[vector<16xi32>, vector<16xi32>], vector<16xf32>,
      tpu.vector_store_idx %arg6[%add3A_1005, %min3A_1002], %broadcast_in_dim3A_5 : memref<256x128xf32, #tpu.memory_space<vmem>>[vector<16xi32>, vector<16xi32>], vector<16xf32>,
      %swap3A_1008 = arith.constant 176 : index
      %swap3A_1009 = tpu.vector_load %arg8[%swap3A_1008] {strides = array<i32>} : memref<256xi32, #tpu.memory_space<vmem>>, vector<16xi32>,
      tpu.vector_store %arg8[%swap3A_1008], %min3A_1002 {strides = array<i32>} : memref<256xi32, #tpu.memory_space<vmem>>, vector<16xi32>,
      %add3A_1010 = arith.constant 192 : i32
      %add3A_1011 = arith.addi %mul3A_620, %add3A_1010 : i32
      %get3A_1012 = arith.index_cast %add3A_1011 : i32 to index
      %get3A_1013 = tpu.vector_load %arg4[%get3A_1012] {strides = array<i32>} : memref<25600xf32, #tpu.memory_space<vmem>>, vector<16xf32>,
      %sub3A_1014 = vector.broadcast %scan3A_77 : f32 to vector<16xf32>
      %sub3A_1015 = arith.subf %get3A_1013, %sub3A_1014 : vector<16xf32>
      %mul3A_1016 = vector.broadcast %scan3A_78 : f32 to vector<16xf32>
      %mul3A_1017 = arith.mulf %sub3A_1015, %mul3A_1016 : vector<16xf32>
      %convert_element_type3A_1018 = arith.fptosi %mul3A_1017 : vector<16xf32> to vector<16xi32>
      %convert_element_type3A_1019 = arith.sitofp %convert_element_type3A_1018 : vector<16xi32> to vector<16xf32>
      %sub3A_1020 = arith.subf %mul3A_1017, %convert_element_type3A_1019 : vector<16xf32>
      %lt3A_1021 = arith.constant 0.000000e+00 : f32
      %lt3A_1022 = vector.broadcast %lt3A_1021 : f32 to vector<16xf32>
      %lt3A_1023 = arith.cmpf olt, %sub3A_1020, %lt3A_1022 : vector<16xf32>
      %add3A_1024 = arith.constant 1.000000e+00 : f32
      %add3A_1025 = vector.broadcast %add3A_1024 : f32 to vector<16xf32>
      %add3A_1026 = arith.addf %sub3A_1020, %add3A_1025 : vector<16xf32>
      %select_n3A_1027 = arith.select %lt3A_1023, %add3A_1026, %sub3A_1020 : vector<16xi1>, vector<16xf32>
      %mul3A_1028 = arith.constant 1.280000e+02 : f32
      %mul3A_1029 = vector.broadcast %mul3A_1028 : f32 to vector<16xf32>
      %mul3A_1030 = arith.mulf %select_n3A_1027, %mul3A_1029 : vector<16xf32>
      %convert_element_type3A_1031 = arith.fptosi %mul3A_1030 : vector<16xf32> to vector<16xi32>
      %min3A_1032 = arith.constant 127 : i32
      %min3A_1033 = vector.broadcast %min3A_1032 : i32 to vector<16xi32>
      %min3A_1034 = arith.minsi %convert_element_type3A_1031, %min3A_1033 : vector<16xi32>
      %add3A_1035 = arith.constant 192 : i32
      %add3A_1036 = vector.broadcast %add3A_1035 : i32 to vector<16xi32>
      %add3A_1037 = arith.addi %iota3A, %add3A_1036 : vector<16xi32>
      %get3A_1038 = arith.constant 192 : index
      %get3A_1039 = tpu.vector_load %arg8[%get3A_1038] {strides = array<i32>} : memref<256xi32, #tpu.memory_space<vmem>>, vector<16xi32>,
      tpu.vector_store_idx %arg6[%add3A_1037, %get3A_1039], %broadcast_in_dim3A_3 : memref<256x128xf32, #tpu.memory_space<vmem>>[vector<16xi32>, vector<16xi32>], vector<16xf32>,
      tpu.vector_store_idx %arg6[%add3A_1037, %min3A_1034], %broadcast_in_dim3A_5 : memref<256x128xf32, #tpu.memory_space<vmem>>[vector<16xi32>, vector<16xi32>], vector<16xf32>,
      %swap3A_1040 = arith.constant 192 : index
      %swap3A_1041 = tpu.vector_load %arg8[%swap3A_1040] {strides = array<i32>} : memref<256xi32, #tpu.memory_space<vmem>>, vector<16xi32>,
      tpu.vector_store %arg8[%swap3A_1040], %min3A_1034 {strides = array<i32>} : memref<256xi32, #tpu.memory_space<vmem>>, vector<16xi32>,
      %add3A_1042 = arith.constant 208 : i32
      %add3A_1043 = arith.addi %mul3A_620, %add3A_1042 : i32
      %get3A_1044 = arith.index_cast %add3A_1043 : i32 to index
      %get3A_1045 = tpu.vector_load %arg4[%get3A_1044] {strides = array<i32>} : memref<25600xf32, #tpu.memory_space<vmem>>, vector<16xf32>,
      %sub3A_1046 = vector.broadcast %scan3A_77 : f32 to vector<16xf32>
      %sub3A_1047 = arith.subf %get3A_1045, %sub3A_1046 : vector<16xf32>
      %mul3A_1048 = vector.broadcast %scan3A_78 : f32 to vector<16xf32>
      %mul3A_1049 = arith.mulf %sub3A_1047, %mul3A_1048 : vector<16xf32>
      %convert_element_type3A_1050 = arith.fptosi %mul3A_1049 : vector<16xf32> to vector<16xi32>
      %convert_element_type3A_1051 = arith.sitofp %convert_element_type3A_1050 : vector<16xi32> to vector<16xf32>
      %sub3A_1052 = arith.subf %mul3A_1049, %convert_element_type3A_1051 : vector<16xf32>
      %lt3A_1053 = arith.constant 0.000000e+00 : f32
      %lt3A_1054 = vector.broadcast %lt3A_1053 : f32 to vector<16xf32>
      %lt3A_1055 = arith.cmpf olt, %sub3A_1052, %lt3A_1054 : vector<16xf32>
      %add3A_1056 = arith.constant 1.000000e+00 : f32
      %add3A_1057 = vector.broadcast %add3A_1056 : f32 to vector<16xf32>
      %add3A_1058 = arith.addf %sub3A_1052, %add3A_1057 : vector<16xf32>
      %select_n3A_1059 = arith.select %lt3A_1055, %add3A_1058, %sub3A_1052 : vector<16xi1>, vector<16xf32>
      %mul3A_1060 = arith.constant 1.280000e+02 : f32
      %mul3A_1061 = vector.broadcast %mul3A_1060 : f32 to vector<16xf32>
      %mul3A_1062 = arith.mulf %select_n3A_1059, %mul3A_1061 : vector<16xf32>
      %convert_element_type3A_1063 = arith.fptosi %mul3A_1062 : vector<16xf32> to vector<16xi32>
      %min3A_1064 = arith.constant 127 : i32
      %min3A_1065 = vector.broadcast %min3A_1064 : i32 to vector<16xi32>
      %min3A_1066 = arith.minsi %convert_element_type3A_1063, %min3A_1065 : vector<16xi32>
      %add3A_1067 = arith.constant 208 : i32
      %add3A_1068 = vector.broadcast %add3A_1067 : i32 to vector<16xi32>
      %add3A_1069 = arith.addi %iota3A, %add3A_1068 : vector<16xi32>
      %get3A_1070 = arith.constant 208 : index
      %get3A_1071 = tpu.vector_load %arg8[%get3A_1070] {strides = array<i32>} : memref<256xi32, #tpu.memory_space<vmem>>, vector<16xi32>,
      tpu.vector_store_idx %arg6[%add3A_1069, %get3A_1071], %broadcast_in_dim3A_3 : memref<256x128xf32, #tpu.memory_space<vmem>>[vector<16xi32>, vector<16xi32>], vector<16xf32>,
      tpu.vector_store_idx %arg6[%add3A_1069, %min3A_1066], %broadcast_in_dim3A_5 : memref<256x128xf32, #tpu.memory_space<vmem>>[vector<16xi32>, vector<16xi32>], vector<16xf32>,
      %swap3A_1072 = arith.constant 208 : index
      %swap3A_1073 = tpu.vector_load %arg8[%swap3A_1072] {strides = array<i32>} : memref<256xi32, #tpu.memory_space<vmem>>, vector<16xi32>,
      tpu.vector_store %arg8[%swap3A_1072], %min3A_1066 {strides = array<i32>} : memref<256xi32, #tpu.memory_space<vmem>>, vector<16xi32>,
      %add3A_1074 = arith.constant 224 : i32
      %add3A_1075 = arith.addi %mul3A_620, %add3A_1074 : i32
      %get3A_1076 = arith.index_cast %add3A_1075 : i32 to index
      %get3A_1077 = tpu.vector_load %arg4[%get3A_1076] {strides = array<i32>} : memref<25600xf32, #tpu.memory_space<vmem>>, vector<16xf32>,
      %sub3A_1078 = vector.broadcast %scan3A_77 : f32 to vector<16xf32>
      %sub3A_1079 = arith.subf %get3A_1077, %sub3A_1078 : vector<16xf32>
      %mul3A_1080 = vector.broadcast %scan3A_78 : f32 to vector<16xf32>
      %mul3A_1081 = arith.mulf %sub3A_1079, %mul3A_1080 : vector<16xf32>
      %convert_element_type3A_1082 = arith.fptosi %mul3A_1081 : vector<16xf32> to vector<16xi32>
      %convert_element_type3A_1083 = arith.sitofp %convert_element_type3A_1082 : vector<16xi32> to vector<16xf32>
      %sub3A_1084 = arith.subf %mul3A_1081, %convert_element_type3A_1083 : vector<16xf32>
      %lt3A_1085 = arith.constant 0.000000e+00 : f32
      %lt3A_1086 = vector.broadcast %lt3A_1085 : f32 to vector<16xf32>
      %lt3A_1087 = arith.cmpf olt, %sub3A_1084, %lt3A_1086 : vector<16xf32>
      %add3A_1088 = arith.constant 1.000000e+00 : f32
      %add3A_1089 = vector.broadcast %add3A_1088 : f32 to vector<16xf32>
      %add3A_1090 = arith.addf %sub3A_1084, %add3A_1089 : vector<16xf32>
      %select_n3A_1091 = arith.select %lt3A_1087, %add3A_1090, %sub3A_1084 : vector<16xi1>, vector<16xf32>
      %mul3A_1092 = arith.constant 1.280000e+02 : f32
      %mul3A_1093 = vector.broadcast %mul3A_1092 : f32 to vector<16xf32>
      %mul3A_1094 = arith.mulf %select_n3A_1091, %mul3A_1093 : vector<16xf32>
      %convert_element_type3A_1095 = arith.fptosi %mul3A_1094 : vector<16xf32> to vector<16xi32>
      %min3A_1096 = arith.constant 127 : i32
      %min3A_1097 = vector.broadcast %min3A_1096 : i32 to vector<16xi32>
      %min3A_1098 = arith.minsi %convert_element_type3A_1095, %min3A_1097 : vector<16xi32>
      %add3A_1099 = arith.constant 224 : i32
      %add3A_1100 = vector.broadcast %add3A_1099 : i32 to vector<16xi32>
      %add3A_1101 = arith.addi %iota3A, %add3A_1100 : vector<16xi32>
      %get3A_1102 = arith.constant 224 : index
      %get3A_1103 = tpu.vector_load %arg8[%get3A_1102] {strides = array<i32>} : memref<256xi32, #tpu.memory_space<vmem>>, vector<16xi32>,
      tpu.vector_store_idx %arg6[%add3A_1101, %get3A_1103], %broadcast_in_dim3A_3 : memref<256x128xf32, #tpu.memory_space<vmem>>[vector<16xi32>, vector<16xi32>], vector<16xf32>,
      tpu.vector_store_idx %arg6[%add3A_1101, %min3A_1098], %broadcast_in_dim3A_5 : memref<256x128xf32, #tpu.memory_space<vmem>>[vector<16xi32>, vector<16xi32>], vector<16xf32>,
      %swap3A_1104 = arith.constant 224 : index
      %swap3A_1105 = tpu.vector_load %arg8[%swap3A_1104] {strides = array<i32>} : memref<256xi32, #tpu.memory_space<vmem>>, vector<16xi32>,
      tpu.vector_store %arg8[%swap3A_1104], %min3A_1098 {strides = array<i32>} : memref<256xi32, #tpu.memory_space<vmem>>, vector<16xi32>,
      %add3A_1106 = arith.constant 240 : i32
      %add3A_1107 = arith.addi %mul3A_620, %add3A_1106 : i32
      %get3A_1108 = arith.index_cast %add3A_1107 : i32 to index
      %get3A_1109 = tpu.vector_load %arg4[%get3A_1108] {strides = array<i32>} : memref<25600xf32, #tpu.memory_space<vmem>>, vector<16xf32>,
      %sub3A_1110 = vector.broadcast %scan3A_77 : f32 to vector<16xf32>
      %sub3A_1111 = arith.subf %get3A_1109, %sub3A_1110 : vector<16xf32>
      %mul3A_1112 = vector.broadcast %scan3A_78 : f32 to vector<16xf32>
      %mul3A_1113 = arith.mulf %sub3A_1111, %mul3A_1112 : vector<16xf32>
      %convert_element_type3A_1114 = arith.fptosi %mul3A_1113 : vector<16xf32> to vector<16xi32>
      %convert_element_type3A_1115 = arith.sitofp %convert_element_type3A_1114 : vector<16xi32> to vector<16xf32>
      %sub3A_1116 = arith.subf %mul3A_1113, %convert_element_type3A_1115 : vector<16xf32>
      %lt3A_1117 = arith.constant 0.000000e+00 : f32
      %lt3A_1118 = vector.broadcast %lt3A_1117 : f32 to vector<16xf32>
      %lt3A_1119 = arith.cmpf olt, %sub3A_1116, %lt3A_1118 : vector<16xf32>
      %add3A_1120 = arith.constant 1.000000e+00 : f32
      %add3A_1121 = vector.broadcast %add3A_1120 : f32 to vector<16xf32>
      %add3A_1122 = arith.addf %sub3A_1116, %add3A_1121 : vector<16xf32>
      %select_n3A_1123 = arith.select %lt3A_1119, %add3A_1122, %sub3A_1116 : vector<16xi1>, vector<16xf32>
      %mul3A_1124 = arith.constant 1.280000e+02 : f32
      %mul3A_1125 = vector.broadcast %mul3A_1124 : f32 to vector<16xf32>
      %mul3A_1126 = arith.mulf %select_n3A_1123, %mul3A_1125 : vector<16xf32>
      %convert_element_type3A_1127 = arith.fptosi %mul3A_1126 : vector<16xf32> to vector<16xi32>
      %min3A_1128 = arith.constant 127 : i32
      %min3A_1129 = vector.broadcast %min3A_1128 : i32 to vector<16xi32>
      %min3A_1130 = arith.minsi %convert_element_type3A_1127, %min3A_1129 : vector<16xi32>
      %add3A_1131 = arith.constant 240 : i32
      %add3A_1132 = vector.broadcast %add3A_1131 : i32 to vector<16xi32>
      %add3A_1133 = arith.addi %iota3A, %add3A_1132 : vector<16xi32>
      %get3A_1134 = arith.constant 240 : index
      %get3A_1135 = tpu.vector_load %arg8[%get3A_1134] {strides = array<i32>} : memref<256xi32, #tpu.memory_space<vmem>>, vector<16xi32>,
      tpu.vector_store_idx %arg6[%add3A_1133, %get3A_1135], %broadcast_in_dim3A_3 : memref<256x128xf32, #tpu.memory_space<vmem>>[vector<16xi32>, vector<16xi32>], vector<16xf32>,
      tpu.vector_store_idx %arg6[%add3A_1133, %min3A_1130], %broadcast_in_dim3A_5 : memref<256x128xf32, #tpu.memory_space<vmem>>[vector<16xi32>, vector<16xi32>], vector<16xf32>,
      %swap3A_1136 = arith.constant 240 : index
      %swap3A_1137 = tpu.vector_load %arg8[%swap3A_1136] {strides = array<i32>} : memref<256xi32, #tpu.memory_space<vmem>>, vector<16xi32>,
      tpu.vector_store %arg8[%swap3A_1136], %min3A_1130 {strides = array<i32>} : memref<256xi32, #tpu.memory_space<vmem>>, vector<16xi32>,
      %add3A_1138 = arith.addi %mul3A_2, %mul3A_620 : i32
      %dma_start3A_1139 = arith.constant 0 : i32
      %dma_start3A_1140 = tpu.memref_slice %arg3[%add3A_1138, %dma_start3A_1139] : memref<819200x128xf32, #tpu.memory_space<hbm>> -> memref<256x128xf32, #tpu.memory_space<hbm>>
      %dma_start3A_1141 = arith.constant 0 : i32
      %dma_start3A_1142 = tpu.memref_slice %arg3[%add3A_1138, %dma_start3A_1141] : memref<819200x128xf32, #tpu.memory_space<hbm>> -> memref<256x128xf32, #tpu.memory_space<hbm>>
      tpu.enqueue_dma source(%arg6 : memref<256x128xf32, #tpu.memory_space<vmem>>) target(%dma_start3A_1142 : memref<256x128xf32, #tpu.memory_space<hbm>>) target_semaphore(%arg10 : memref<!tpu.dma_semaphore, #tpu.memory_space<semaphore_mem>>)
    }
    %scan3A_83 = arith.constant 50 : i32
    %add3A_84 = arith.constant 25088 : i32
    %add3A_85 = arith.addi %mul3A_2, %add3A_84 : i32
    %add3A_86 = arith.constant 25344 : i32
    %add3A_87 = arith.addi %mul3A_2, %add3A_86 : i32
    %dma_wait3A = arith.constant 0 : i32
    %dma_wait3A_88 = tpu.memref_slice %arg3[%add3A_85, %dma_wait3A] : memref<819200x128xf32, #tpu.memory_space<hbm>> -> memref<256x128xf32, #tpu.memory_space<hbm>>
    %dma_wait3A_89 = arith.constant 0 : i32
    %dma_wait3A_90 = tpu.memref_slice %arg3[%add3A_85, %dma_wait3A_89] : memref<819200x128xf32, #tpu.memory_space<hbm>> -> memref<256x128xf32, #tpu.memory_space<hbm>>
    tpu.wait_dma2 semaphore(%arg9 : memref<!tpu.dma_semaphore, #tpu.memory_space<semaphore_mem>>) src(%arg5 : memref<256x128xf32, #tpu.memory_space<vmem>>) dst(%dma_wait3A_90 : memref<256x128xf32, #tpu.memory_space<hbm>>)
    %dma_wait3A_91 = arith.constant 0 : i32
    %dma_wait3A_92 = tpu.memref_slice %arg3[%add3A_87, %dma_wait3A_91] : memref<819200x128xf32, #tpu.memory_space<hbm>> -> memref<256x128xf32, #tpu.memory_space<hbm>>
    %dma_wait3A_93 = arith.constant 0 : i32
    %dma_wait3A_94 = tpu.memref_slice %arg3[%add3A_87, %dma_wait3A_93] : memref<819200x128xf32, #tpu.memory_space<hbm>> -> memref<256x128xf32, #tpu.memory_space<hbm>>
    tpu.wait_dma2 semaphore(%arg10 : memref<!tpu.dma_semaphore, #tpu.memory_space<semaphore_mem>>) src(%arg6 : memref<256x128xf32, #tpu.memory_space<vmem>>) dst(%dma_wait3A_94 : memref<256x128xf32, #tpu.memory_space<hbm>>)
    return
  }
}

</mosaic_0001>

<sc_bundles>
// kernel: kernel.3.cloned.1.call-start
scs
__scs_entry_jumppad:
0x0: {  	(pc) =	sbr.rel $0x88, $3  }
0x1: {  	(tag) =	ssettag $0x0;
	lr =	simm.s32 $0x1  }
0x2: {  	[smem:$0x3FA0] =	sst lr;
	_ =	strace $0xD0000000  }
0x3: {  	_ = 	snop  }
0x4: {  	_ = 	snop  }
0x5: {  	_ = 	snop  }
0x6: {  	_ = 	snop  }
0x7: {  	_ = 	snop  }
__scs_overlays_trampoline_lowered:
0x8: {  	[smem:$0x3FAF] =	sst s0  }
0x9: {  	[smem:$0x3FB0] =	sst s1  }
0xa: {  	[smem:$0x3FB1] =	sst s2  }
0xb: {  	[smem:$0x3FB2] =	sst s3  }
0xc: {  	[smem:$0x3FB3] =	sst s4  }
0xd: {  	[smem:$0x3FB4] =	sst s5  }
0xe: {  	[smem:$0x3FB5] =	sst s6  }
0xf: {  	[smem:$0x3FB6] =	sst s7  }
0x10: {  	[smem:$0x3FB7] =	sst s8  }
0x11: {  	[smem:$0x3FB8] =	sst s9;
	s0 =	simm.s32 @!p0 $0x0  }
0x12: {  	s1 =	sld [smem:$0x3F9E];
	s0 =	simm.s32 @p0 $0x1  }
0x13: {  	[smem:$0x3FB9] =	sst s0;
	s0 =	simm.s32 @!p1 $0x0  }
0x14: {  	s2 =	sld [smem:$0x3F9D];
	s0 =	simm.s32 @p1 $0x1  }
0x15: {  	[smem:$0x3FBA] =	sst s0;
	s0 =	simm.s32 @!p2 $0x0  }
0x16: {  	s3 =	sld [smem:$0x3FDB];
	s0 =	simm.s32 @p2 $0x1  }
0x17: {  	s4 =	simm.s32 $0x1BF5;
	[smem:$0x3FBC] =	sst s0  }
0x18: {  	s0 =	sld [smem:$0x3F9F];
	_ =	swait.ge [sflag:s4], $0x0  }
0x19: {  	s7 =	sld [smem:$0x3FA0]  }
0x1a: {  	s8 =	sadd.s32 $0xFFFFE003, lr  }
0x1b: {  	s9 =	sadd.s32 $0xFFFFFEF7, lr;
	s5 =	simm.s32 $0xFFFFFFFF;
	p2 =	slt.u32 s8, $0xFFFFF086  }
0x1c: {  	p1 =	slt.u32 s9, $0xF7A;
	s5 =	simm.s32 @!p2 $0x0  }
0x1d: {  	s5 =	simm.s32 @p1 $0x1;
	p0 =	seq.s32 s7, s2  }
0x1e: {  	s7 =	smul.u32 @!p0 $0xF7A, s2;
	p2 =	seq.s32 @!p0 s5, $0x0  }
0x1f: {  	s9 =	smul.u32 $0xF7A, s1;
	s8 =	simm.s32 @!p0 $0x1BF5;
	p2 =	por !p2, p0  }
0x20: {  	[sflag:s8] =	ssyncset.s32 @!p0 $0xFFFFF086;
	s6 =	sadd.s32 @!p0 s3, s7;
	s7 =	simm.s32 @!p0 $0x108  }
0x21: {  	s3 =	sadd.s32 s3, s9;
	s6 =	sadd.s32 @!p0 $0x88, s6;
	s7 =	simm.s32 @p2 $0x1082  }
0x22: {  	[simem:s7], [sflag:s8] =	dma.local @!p0 [hbm:s6], $0xF7A  }
0x23: {  	s9 =	sor.u32 $0xD0000000, s2;
	s6 =	simm.s32 $0x108;
	_ =	swait.ge @!p0 [sflag:s8], $0x0  }
0x24: {  	s3 =	sadd.s32 $0x88, s3;
	s6 =	simm.s32 @!p1 $0x1082;
	[sflag:s4] =	ssyncset.s32 $0xFFFFF086  }
0x25: {  	[simem:s6], [sflag:s4] =	dma.local [hbm:s3], $0xF7A  }
0x26: {  	[smem:$0x3FA0] =	sst s1;
	(tag) =	ssettag s2;
	_ =	strace s9  }
0x27: {  	s1 =	sld [smem:$0x3FB0]  }
0x28: {  	s2 =	sld [smem:$0x3FB1]  }
0x29: {  	s4 =	sld [smem:$0x3FB3]  }
0x2a: {  	p0 =	seq.s32 s5, $0x0;
	s5 =	sld [smem:$0x3FB4]  }
0x2b: {  	s6 =	sld [smem:$0x3FB5]  }
0x2c: {  	s7 =	sld [smem:$0x3FB6]  }
0x2d: {  	s3 =	simm.s32 $0x108;
	s8 =	sld [smem:$0x3FB7]  }
0x2e: {  	s3 =	simm.s32 @!p0 $0x1082;
	s9 =	sld [smem:$0x3FB8]  }
0x2f: {  	lr =	sadd.s32 s0, s3;
	s0 =	sld [smem:$0x3FAF]  }
0x30: {  	s3 =	sld [smem:$0x3FB2]  }
0x31: {  	[smem:$0x3FBB] =	sst s10  }
0x32: {  	s10 =	sld [smem:$0x3FB9];
	_ =	sdelay $0x3  }
0x33: {  	p0 =	seq.s32 s10, $0x1;
	s10 =	sld [smem:$0x3FBB];
	_ =	sdelay $0x3  }
0x34: {  	[smem:$0x3FBB] =	sst s10  }
0x35: {  	s10 =	sld [smem:$0x3FBA];
	_ =	sdelay $0x3  }
0x36: {  	p1 =	seq.s32 s10, $0x1;
	s10 =	sld [smem:$0x3FBB];
	_ =	sdelay $0x3  }
0x37: {  	[smem:$0x3FBB] =	sst s10  }
0x38: {  	s10 =	sld [smem:$0x3FBC]  }
0x39: {  	_ = 	snop;
	(pc) =	sbr.ind lr, $3  }
0x3a: {  	_ = 	snop  }
0x3b: {  	_ = 	snop  }
0x3c: {  	p2 =	seq.s32 s10, $0x1;
	s10 =	sld [smem:$0x3FBB]  }
0x3d: {  	_ =	shalt  }
0x3e: {  	_ =	shalt  }
0x3f: {  	_ =	shalt  }
0x40: {  	_ =	shalt  }
0x41: {  	_ =	shalt  }
0x42: {  	_ =	shalt  }
0x43: {  	_ =	shalt  }
0x44: {  	_ =	shalt  }
0x45: {  	_ =	shalt  }
0x46: {  	_ =	shalt  }
0x47: {  	_ =	shalt  }
0x48: {  	_ =	shalt  }
0x49: {  	_ =	shalt  }
0x4a: {  	_ =	shalt  }
0x4b: {  	_ =	shalt  }
0x4c: {  	_ =	shalt  }
0x4d: {  	_ =	shalt  }
0x4e: {  	_ =	shalt  }
0x4f: {  	_ =	shalt  }
0x50: {  	_ =	shalt  }
0x51: {  	_ =	shalt  }
0x52: {  	_ =	shalt  }
0x53: {  	_ =	shalt  }
0x54: {  	_ =	shalt  }
0x55: {  	_ =	shalt  }
0x56: {  	_ =	shalt  }
0x57: {  	_ =	shalt  }
0x58: {  	_ =	shalt  }
0x59: {  	_ =	shalt  }
0x5a: {  	_ =	shalt  }
0x5b: {  	_ =	shalt  }
0x5c: {  	_ =	shalt  }
0x5d: {  	_ =	shalt  }
0x5e: {  	_ =	shalt  }
0x5f: {  	_ =	shalt  }
0x60: {  	_ =	shalt  }
0x61: {  	_ =	shalt  }
0x62: {  	_ =	shalt  }
0x63: {  	_ =	shalt  }
0x64: {  	_ =	shalt  }
0x65: {  	_ =	shalt  }
0x66: {  	_ =	shalt  }
0x67: {  	_ =	shalt  }
0x68: {  	_ =	shalt  }
0x69: {  	_ =	shalt  }
0x6a: {  	_ =	shalt  }
0x6b: {  	_ =	shalt  }
0x6c: {  	_ =	shalt  }
0x6d: {  	_ =	shalt  }
0x6e: {  	_ =	shalt  }
0x6f: {  	_ =	shalt  }
0x70: {  	_ =	shalt  }
0x71: {  	_ =	shalt  }
0x72: {  	_ =	shalt  }
0x73: {  	_ =	shalt  }
0x74: {  	_ =	shalt  }
0x75: {  	_ =	shalt  }
0x76: {  	_ =	shalt  }
0x77: {  	_ =	shalt  }
0x78: {  	_ =	shalt  }
0x79: {  	_ =	shalt  }
0x7a: {  	_ =	shalt  }
0x7b: {  	_ =	shalt  }
0x7c: {  	_ =	shalt  }
0x7d: {  	_ =	shalt  }
0x7e: {  	_ =	shalt  }
0x7f: {  	_ =	shalt  }
0x80: {  	_ =	shalt  }
0x81: {  	_ =	shalt  }
0x82: {  	_ =	shalt  }
0x83: {  	_ =	shalt  }
0x84: {  	_ =	shalt  }
0x85: {  	_ =	shalt  }
0x86: {  	_ =	shalt  }
0x87: {  	_ =	shalt  }
.Lfunc_end0:
.L_simem_size_0:
called_computation_lowered:
.L_overlay_start_0:
0x88: {  	s2 =	sld [smem:$0x3FD9]  }
0x89: {  	s3 =	sld [smem:$0x3FFE];
	_ =	sdelay $0x1  }
0x8a: {  	s1 =	srdreg.scid  }
0x8b: {  	s0 =	sand.u32 $0x1, s1  }
0x8c: {  	s17 =	sshll.u32 s0, $0xA;
	s2 =	sadd.s32 s3, s2  }
0x8d: {  	s2 =	sadd.s32 s2, s17  }
0x8e: {  	[smem:$0x3FC7] =	sst s2  }
0x8f: {  	_ = 	snop  }
0x90: {  	s2 =	sld [smem:$0x3FD0];
	(tm) =	ssettm $0x1  }
0x91: {  	s18 =	sld [smem:$0x3FFB];
	_ =	sdelay $0x3  }
0x92: {  	_ =	strace s18  }
0x93: {  	s3 =	sld [smem:$0x3FFC];
	_ =	sdelay $0x3  }
0x94: {  	_ =	strace s3  }
0x95: {  	s3 =	sld [smem:$0x3FFD];
	_ =	sdelay $0x3  }
0x96: {  	_ =	strace s3  }
0x97: {  	_ =	strace $0x8FFFFFFF  }
0x98: {  	s19 =	sld [smem:$0x3FDB];
	_ =	sdelay $0x1  }
0x99: {  	s4 =	simm.s32 $_scs_section_size  }
0x9a: {  	s5 =	simm.s32 $_size__tile_overlayer_lowered;
	s6 =	simm.s32 $_tile_overlayer_lowered  }
0x9b: {  	s22 =	simm.s32 $0x1BFF;
	s21 =	sshll.u32 s6, $0x1;
	s3 =	sadd.s32 s4, s19  }
0x9c: {  	s7 =	simm.s32 $0x0;
	s20 =	sshll.u32 s5, $0x1;
	s5 =	sadd.s32 s21, s3  }
0x9d: {  	[timem:s7], [sflag:s22] =	dma.local [hbm:s5], s20  }
0x9e: {  	_ =	swait.ge [sflag:s22], s20  }
0x9f: {  	s4 =	ssub.s32 $0x0, s20;
	[sflag:s22] =	ssyncset.done $0x0  }
0xa0: {  	[sflag:s22] =	ssyncadd.s32 s4;
	_ =	sdelay $0x1  }
0xa1: {  	s23 =	simm.s32 $0x1B8B  }
0xa2: {  	_ =	swait.ge [sflag:s23], $0x1  }
0xa3: {  	[sflag:s23] =	ssyncset.done $0x0  }
0xa4: {  	s25 =	simm.s32 $0x1B8E;
	s24 =	sld [smem:$0x3FFE];
	[sflag:s23] =	ssyncadd.s32 $0xFFFFFFFF  }
0xa5: {  	s26 =	simm.s32 $execute0_lowered;
	[smem:$0x3FD2] =	sst s25  }
0xa6: {  	s5 =	sshll.u32 s26, $0x1;
	_ =	strace $0x80000046;
	[dreg:$0x1] =	wrdreg $0xFFFFFFFF  }
0xa7: {  	s28 =	simm.s32 $_size_execute0_lowered;
	s3 =	sadd.s32 s3, s5;
	[dreg:$0x0] =	wrdreg $0x0  }
0xa8: {  	s5 =	sshll.u32 s28, $0x1;
	[dreg:$0x2] =	wrdreg s3  }
0xa9: {  	[dreg:$0x3] =	wrdreg s5  }
0xaa: {  	[dreg:$0x4] =	wrdreg $0xC0  }
0xab: {  	_ =	task [dreg:s7], $0x5FFFF  }
0xac: {  	[dreg:$0x1] =	wrdreg $0xFFFFFFFF  }
0xad: {  	[dreg:$0x0] =	wrdreg $0x60  }
0xae: {  	[dreg:$0x2] =	wrdreg s24  }
0xaf: {  	[dreg:$0x3] =	wrdreg s2  }
0xb0: {  	[dreg:$0x4] =	wrdreg $0x9  }
0xb1: {  	_ =	task.clear_ibuf [dreg:s7], $0x5FFFF;
	_ =	strace $0x90000046  }
0xb2: {  	s29 =	simm.s32 $0x9;
	_ =	strace $0x80000048  }
0xb3: {  	_ =	swait.ge [sflag:s29], $0x1  }
0xb4: {  	[sflag:s29] =	ssyncadd.s32 $0xFFFFFFFF  }
0xb5: {  	_ =	strace $0x90000048  }
0xb6: {  	_ =	sfence  }
0xb7: {  	s30 =	sld [smem:$0x0];
	_ =	sdelay $0x2  }
0xb8: {  	s31 =	sshll.u32 s1, $0xD;
	s1 =	sshrl.u32 s1, $0x2  }
0xb9: {  	s3 =	sand.u32 $0x4000, s31;
	s1 =	sadd.s32 s1, s30  }
0xba: {  	s0 =	sor.u32 s3, s0;
	s1 =	sshll.u32 s1, $0x11  }
0xbb: {  	s0 =	sor.u32 s1, s0  }
0xbc: {  	s0 =	sadd.s32 $0x8F2B, s0  }
0xbd: {  	[sflag:s0] =	ssyncadd.remote.s32 $0x1  }
0xbe: {  	_ =	sfence.sel $0xFFFF  }
0xbf: {  	[dreg:$0x0] =	wrdreg $0xFFFFFFFF;
	(pc) =	sbr.abs _section_cstart, $3  }
0xc0: {  	[dreg:$0x1] =	wrdreg $0xFFFFFFFF  }
0xc1: {  	_ =	task.clear_ibuf [dreg:s7], $0x2FFFF;
	_ =	strace $0x9FFFFFFF  }
0xc2: {  	(tm) =	ssettm $0x7FFFFFFF  }
0xc3: {  	_ =	shalt  }
tec
execute0_lowered:
.L_overlay_start_1:
0x0: {  	(tag) =	ssettag $0x1  }
0x1: {  	s3 =	rddreg [dreg:$0x0];
	s1 =	srdreg.scid  }
0x2: {  	s0 =	stileid.u32;
	s4 =	rddreg [dreg:$0x1];
	s2 =	simm.s32 $0x0  }
0x3: {  	v0 =	vlaneseq.u32;
	s10 =	simm.s32 $0x2;
	s11 =	simm.s32 $0x0;
	s5 =	sand.u32 $0x1, s1  }
0x4: {  	s6 =	sshll.u32 s0, $0x1;
	[smem:$0x7FF] =	sst s2;
	v0 =	vmul.u32 $0x80, v0;
	s8 =	smul.u32 $0xC8000, s0  }
0x5: {  	v1 =	vimm.f32 $0.0e+00;
	v2 =	vimm.s32 $0x0;
	v3 =	vimm.f32 $1.000000000e+00;
	s6 =	sor.u32 s5, s6;
	s7 =	ssub.s32 $0x2, s5;
	s5 =	smul.u32 $0x64000, s5  }
0x6: {  	s1 =	rddreg [dreg:$0x2];
	_ =	strace $0x80000047;
	s6 =	smul.u32 $0x6400, s6;
	v4 =	vor.u32 $0x800, v0;
	v5 =	vor.u32 $0x1000, v0;
	v6 =	vor.u32 $0x1800, v0  }
0x7: {  	s9 =	sshrl.u32 s7, $0x1;
	s31 =	sadd.s32 s8, s4;
	v7 =	vor.u32 $0x2000, v0;
	v8 =	vor.u32 $0x2800, v0;
	v9 =	vor.u32 $0x3000, v0;
	s8 =	simm.s32 $0xE400  }
0x8: {  	v10 =	vor.u32 $0x3800, v0;
	v11 =	vor.u32 $0x4000, v0;
	v12 =	vor.u32 $0x4800, v0;
	s30 =	ssub.s32 s7, s9;
	s5 =	sadd.s32 s5, s31;
	s6 =	sshrl.u32 s6, $0x3  }
0x9: {  	v13 =	vor.u32 $0x5000, v0;
	v14 =	vor.u32 $0x5800, v0;
	v15 =	vor.u32 $0x6000, v0;
	s7 =	simm.s32 $0x6400;
	s9 =	simm.s32 $0x1;
	s3 =	sadd.s32 s6, s3  }
0xa: {  	v16 =	vor.u32 $0x6800, v0;
	v17 =	vor.u32 $0x7000, v0;
	v18 =	vor.u32 $0x7800, v0;
	s4 =	smax.u32 s30, $0x1;
	s6 =	simm.s32 $0x3;
	s3 =	sadd.s32 $0x400, s3  }
.LBB2_1:
0xb: {  	[tilespmem:s2], [sflag:$0x3] =	stream.linear.gather [hbm4b:s3+s2], $0x6400, $0x38;
	[tilespmem:$0x16600] =	vst v63  }
0xc: {  	_ =	swait.ge [sflag:s6], $0x6400  }
0xd: {  	[sflag:s6] =	ssyncset.done $0x0  }
0xe: {  	s12 =	simm.s32 $0x0;
	s13 =	simm.s32 $0x200;
	[sflag:s6] =	ssyncadd.s32 $0xFFFF9C00  }
.LBB2_2:
0xf: {  	p0 =	sne.s32 s13, $0x1FE00;
	[tilespmem:s12+$0xE470] =	vst v1  }
0x10: {  	[tilespmem:s12+$0x6400] =	vst v1  }
0x11: {  	[tilespmem:s12+$0xE400] =	vst v1  }
0x12: {  	[tilespmem:s12+$0x6410] =	vst v1  }
0x13: {  	[tilespmem:s12+$0xE410] =	vst v1  }
0x14: {  	[tilespmem:s12+$0x6420] =	vst v1  }
0x15: {  	[tilespmem:s12+$0xE420] =	vst v1  }
0x16: {  	[tilespmem:s12+$0x6430] =	vst v1  }
0x17: {  	[tilespmem:s12+$0xE430] =	vst v1  }
0x18: {  	[tilespmem:s12+$0x6440] =	vst v1  }
0x19: {  	[tilespmem:s12+$0xE440] =	vst v1  }
.Ltmp0:
0x1a: {  	[tilespmem:s12+$0x6450] =	vst v1;
	(pc) =	sbr.rel @p0 .LBB2_2-.Ltmp0, $4  }
0x1b: {  	[tilespmem:s12+$0xE450] =	vst v1  }
0x1c: {  	[tilespmem:s12+$0x6460] =	vst v1  }
0x1d: {  	[tilespmem:s12+$0xE460] =	vst v1  }
0x1e: {  	[tilespmem:s12+$0x6470] =	vst v1;
	s12 =	sshra.s32 s13, $0x2;
	s13 =	sadd.s32 $0x200, s13  }
0x1f: {  	[tilespmem:s12+$0xE470] =	vst v1  }
0x20: {  	[tilespmem:s12+$0x6400] =	vst v1  }
0x21: {  	[tilespmem:s12+$0xE400] =	vst v1  }
0x22: {  	[tilespmem:s12+$0x6410] =	vst v1  }
0x23: {  	[tilespmem:s12+$0xE410] =	vst v1  }
0x24: {  	[tilespmem:s12+$0x6420] =	vst v1  }
0x25: {  	[tilespmem:s12+$0xE420] =	vst v1  }
0x26: {  	[tilespmem:s12+$0x6430] =	vst v1  }
0x27: {  	[tilespmem:s12+$0xE430] =	vst v1  }
0x28: {  	[tilespmem:s12+$0x6440] =	vst v1  }
0x29: {  	[tilespmem:s12+$0xE440] =	vst v1  }
0x2a: {  	[tilespmem:s12+$0x6450] =	vst v1  }
0x2b: {  	[tilespmem:s12+$0xE450] =	vst v1  }
0x2c: {  	[tilespmem:s12+$0x6460] =	vst v1  }
0x2d: {  	[tilespmem:s12+$0xE460] =	vst v1  }
0x2e: {  	[tilespmem:s12+$0x6470] =	vst v1  }
0x2f: {  	[tilespmem:$0x16400] =	vst v2  }
0x30: {  	[tilespmem:$0x16500] =	vst v2  }
0x31: {  	[tilespmem:$0x16410] =	vst v2  }
0x32: {  	[tilespmem:$0x16510] =	vst v2  }
0x33: {  	[tilespmem:$0x16420] =	vst v2  }
0x34: {  	[tilespmem:$0x16520] =	vst v2  }
0x35: {  	[tilespmem:$0x16430] =	vst v2  }
0x36: {  	[tilespmem:$0x16530] =	vst v2  }
0x37: {  	[tilespmem:$0x16440] =	vst v2  }
0x38: {  	[tilespmem:$0x16540] =	vst v2  }
0x39: {  	[tilespmem:$0x16450] =	vst v2  }
0x3a: {  	[tilespmem:$0x16550] =	vst v2  }
0x3b: {  	[tilespmem:$0x16460] =	vst v2  }
0x3c: {  	[tilespmem:$0x16560] =	vst v2  }
0x3d: {  	[tilespmem:$0x16470] =	vst v2  }
0x3e: {  	[tilespmem:$0x16570] =	vst v2  }
0x3f: {  	[tilespmem:$0x16480] =	vst v2  }
0x40: {  	[tilespmem:$0x16580] =	vst v2  }
0x41: {  	[tilespmem:$0x16490] =	vst v2  }
0x42: {  	[tilespmem:$0x16590] =	vst v2  }
0x43: {  	[tilespmem:$0x164A0] =	vst v2  }
0x44: {  	[tilespmem:$0x165A0] =	vst v2  }
0x45: {  	[tilespmem:$0x164B0] =	vst v2  }
0x46: {  	[tilespmem:$0x165B0] =	vst v2  }
0x47: {  	[tilespmem:$0x164C0] =	vst v2  }
0x48: {  	[tilespmem:$0x165C0] =	vst v2  }
0x49: {  	[tilespmem:$0x164D0] =	vst v2  }
0x4a: {  	[tilespmem:$0x165D0] =	vst v2  }
0x4b: {  	[tilespmem:$0x164E0] =	vst v2  }
0x4c: {  	[tilespmem:$0x165E0] =	vst v2  }
0x4d: {  	[tilespmem:$0x164F0] =	vst v2  }
0x4e: {  	s12 =	simm.s32 $0x0;
	s13 =	simm.s32 $0x100;
	[tilespmem:$0x165F0] =	vst v2  }
.LBB2_4:
0x4f: {  	p0 =	seq.s32 s12, $0x0  }
0x50: {  	s14 =	simm.s32 @!p0 $0x1  }
0x51: {  	_ =	swait.ge @!p0 [sflag:s14], $0x8000  }
0x52: {  	[sflag:s14] =	ssyncset.done @!p0 $0x0  }
0x53: {  	[sflag:s14] =	ssyncadd.s32 @!p0 $0xFFFF8000  }
0x54: {  	v19 =	vld [tilespmem:s13+$0xFFFFFF00];
	_ =	sdelay $0x4  }
0x55: {  	v19 =	vadd.f32 $3.141592740e+00, v19;
	_ =	sdelay $0x1  }
0x56: {  	v19 =	vmul.f32 $1.591549370e-01, v19;
	_ =	sdelay $0x1  }
0x57: {  	v20 =	vtrunc.f32 v19  }
0x58: {  	v20 =	vcvt.f32.s32 v20;
	_ =	sdelay $0x1  }
0x59: {  	v20 =	vcvt.s32.f32 v20;
	_ =	sdelay $0x1  }
0x5a: {  	v19 =	vsub.f32 v19, v20;
	_ =	sdelay $0x1  }
0x5b: {  	v20 =	vadd.f32 $1.000000000e+00, v19  }
0x5c: {  	vm0 =	vlt.f32 v19, $0.0e+00  }
0x5d: {  	v19 =	vsel vm0, v20, v19  }
0x5e: {  	v19 =	vmul.f32 $1.280000000e+02, v19  }
0x5f: {  	v20 =	vld [tilespmem:$0x16400]  }
0x60: {  	v19 =	vtrunc.f32 v19  }
0x61: {  	v19 =	vcvt.f32.s32 v19;
	_ =	sdelay $0x1  }
0x62: {  	vm13 =	vlt.s32 v19, $0x7F  }
0x63: {  	v20 =	vadd.s32 v0, v20;
	v19 =	vnsel vm13, $0x7F, v19  }
0x64: {  	v21 =	vadd.s32 v0, v19;
	_ =	sdelay $0x3  }
0x65: {  	[tilespmem:v20+s7+$0x0] =	vst.idx.msk $0xffff, v1  }
0x66: {  	[tilespmem:v21+s7+$0x0] =	vst.idx.msk $0xffff, v3  }
0x67: {  	[tilespmem:$0x16400] =	vst v19  }
0x68: {  	v19 =	vld [tilespmem:s13+$0xFFFFFF10];
	_ =	sdelay $0x4  }
0x69: {  	v19 =	vadd.f32 $3.141592740e+00, v19;
	_ =	sdelay $0x1  }
0x6a: {  	v19 =	vmul.f32 $1.591549370e-01, v19;
	_ =	sdelay $0x1  }
0x6b: {  	v20 =	vtrunc.f32 v19  }
0x6c: {  	v20 =	vcvt.f32.s32 v20;
	_ =	sdelay $0x1  }
0x6d: {  	v20 =	vcvt.s32.f32 v20;
	_ =	sdelay $0x1  }
0x6e: {  	v19 =	vsub.f32 v19, v20;
	_ =	sdelay $0x1  }
0x6f: {  	v20 =	vadd.f32 $1.000000000e+00, v19  }
0x70: {  	vm14 =	vlt.f32 v19, $0.0e+00  }
0x71: {  	v19 =	vsel vm14, v20, v19  }
0x72: {  	v19 =	vmul.f32 $1.280000000e+02, v19  }
0x73: {  	v20 =	vld [tilespmem:$0x16410]  }
0x74: {  	v19 =	vtrunc.f32 v19  }
0x75: {  	v19 =	vcvt.f32.s32 v19;
	_ =	sdelay $0x1  }
0x76: {  	vm15 =	vlt.s32 v19, $0x7F  }
0x77: {  	v20 =	vadd.s32 v4, v20;
	v19 =	vnsel vm15, $0x7F, v19  }
0x78: {  	v33 =	vadd.s32 v4, v19;
	_ =	sdelay $0x3  }
0x79: {  	[tilespmem:v20+s7+$0x0] =	vst.idx.msk $0xffff, v1  }
0x7a: {  	[tilespmem:v33+s7+$0x0] =	vst.idx.msk $0xffff, v3  }
0x7b: {  	[tilespmem:$0x16410] =	vst v19  }
0x7c: {  	v19 =	vld [tilespmem:s13+$0xFFFFFF20];
	_ =	sdelay $0x4  }
0x7d: {  	v19 =	vadd.f32 $3.141592740e+00, v19;
	_ =	sdelay $0x1  }
0x7e: {  	v19 =	vmul.f32 $1.591549370e-01, v19;
	_ =	sdelay $0x1  }
0x7f: {  	v20 =	vtrunc.f32 v19  }
0x80: {  	v20 =	vcvt.f32.s32 v20;
	_ =	sdelay $0x1  }
0x81: {  	v20 =	vcvt.s32.f32 v20;
	_ =	sdelay $0x1  }
0x82: {  	v19 =	vsub.f32 v19, v20;
	_ =	sdelay $0x1  }
0x83: {  	v20 =	vadd.f32 $1.000000000e+00, v19  }
0x84: {  	vm4 =	vlt.f32 v19, $0.0e+00  }
0x85: {  	v19 =	vsel vm4, v20, v19  }
0x86: {  	v19 =	vmul.f32 $1.280000000e+02, v19  }
0x87: {  	v20 =	vld [tilespmem:$0x16420]  }
0x88: {  	v19 =	vtrunc.f32 v19  }
0x89: {  	v19 =	vcvt.f32.s32 v19;
	_ =	sdelay $0x1  }
0x8a: {  	vm5 =	vlt.s32 v19, $0x7F  }
0x8b: {  	v20 =	vadd.s32 v5, v20;
	v19 =	vnsel vm5, $0x7F, v19  }
0x8c: {  	v34 =	vadd.s32 v5, v19;
	_ =	sdelay $0x3  }
0x8d: {  	[tilespmem:v20+s7+$0x0] =	vst.idx.msk $0xffff, v1  }
0x8e: {  	[tilespmem:v34+s7+$0x0] =	vst.idx.msk $0xffff, v3  }
0x8f: {  	[tilespmem:$0x16420] =	vst v19  }
0x90: {  	v19 =	vld [tilespmem:s13+$0xFFFFFF30];
	_ =	sdelay $0x4  }
0x91: {  	v19 =	vadd.f32 $3.141592740e+00, v19;
	_ =	sdelay $0x1  }
0x92: {  	v19 =	vmul.f32 $1.591549370e-01, v19;
	_ =	sdelay $0x1  }
0x93: {  	v20 =	vtrunc.f32 v19  }
0x94: {  	v20 =	vcvt.f32.s32 v20;
	_ =	sdelay $0x1  }
0x95: {  	v20 =	vcvt.s32.f32 v20;
	_ =	sdelay $0x1  }
0x96: {  	v19 =	vsub.f32 v19, v20;
	_ =	sdelay $0x1  }
0x97: {  	v20 =	vadd.f32 $1.000000000e+00, v19  }
0x98: {  	vm6 =	vlt.f32 v19, $0.0e+00  }
0x99: {  	v19 =	vsel vm6, v20, v19  }
0x9a: {  	v19 =	vmul.f32 $1.280000000e+02, v19  }
0x9b: {  	v20 =	vld [tilespmem:$0x16430]  }
0x9c: {  	v19 =	vtrunc.f32 v19  }
0x9d: {  	v19 =	vcvt.f32.s32 v19;
	_ =	sdelay $0x1  }
0x9e: {  	vm7 =	vlt.s32 v19, $0x7F  }
0x9f: {  	v20 =	vadd.s32 v6, v20;
	v19 =	vnsel vm7, $0x7F, v19  }
0xa0: {  	v35 =	vadd.s32 v6, v19;
	_ =	sdelay $0x3  }
0xa1: {  	[tilespmem:v20+s7+$0x0] =	vst.idx.msk $0xffff, v1  }
0xa2: {  	[tilespmem:v35+s7+$0x0] =	vst.idx.msk $0xffff, v3  }
0xa3: {  	[tilespmem:$0x16430] =	vst v19  }
0xa4: {  	v19 =	vld [tilespmem:s13+$0xFFFFFF40];
	_ =	sdelay $0x4  }
0xa5: {  	v19 =	vadd.f32 $3.141592740e+00, v19;
	_ =	sdelay $0x1  }
0xa6: {  	v19 =	vmul.f32 $1.591549370e-01, v19;
	_ =	sdelay $0x1  }
0xa7: {  	v20 =	vtrunc.f32 v19  }
0xa8: {  	v20 =	vcvt.f32.s32 v20;
	_ =	sdelay $0x1  }
0xa9: {  	v20 =	vcvt.s32.f32 v20;
	_ =	sdelay $0x1  }
0xaa: {  	v19 =	vsub.f32 v19, v20;
	_ =	sdelay $0x1  }
0xab: {  	v20 =	vadd.f32 $1.000000000e+00, v19  }
0xac: {  	vm8 =	vlt.f32 v19, $0.0e+00  }
0xad: {  	v19 =	vsel vm8, v20, v19  }
0xae: {  	v19 =	vmul.f32 $1.280000000e+02, v19  }
0xaf: {  	v20 =	vld [tilespmem:$0x16440]  }
0xb0: {  	v19 =	vtrunc.f32 v19  }
0xb1: {  	v19 =	vcvt.f32.s32 v19;
	_ =	sdelay $0x1  }
0xb2: {  	vm9 =	vlt.s32 v19, $0x7F  }
0xb3: {  	v20 =	vadd.s32 v7, v20;
	v19 =	vnsel vm9, $0x7F, v19  }
0xb4: {  	v36 =	vadd.s32 v7, v19;
	_ =	sdelay $0x3  }
0xb5: {  	[tilespmem:v20+s7+$0x0] =	vst.idx.msk $0xffff, v1  }
0xb6: {  	[tilespmem:v36+s7+$0x0] =	vst.idx.msk $0xffff, v3  }
0xb7: {  	[tilespmem:$0x16440] =	vst v19  }
0xb8: {  	v19 =	vld [tilespmem:s13+$0xFFFFFF50];
	_ =	sdelay $0x4  }
0xb9: {  	v19 =	vadd.f32 $3.141592740e+00, v19;
	_ =	sdelay $0x1  }
0xba: {  	v19 =	vmul.f32 $1.591549370e-01, v19;
	_ =	sdelay $0x1  }
0xbb: {  	v20 =	vtrunc.f32 v19  }
0xbc: {  	v20 =	vcvt.f32.s32 v20;
	_ =	sdelay $0x1  }
0xbd: {  	v20 =	vcvt.s32.f32 v20;
	_ =	sdelay $0x1  }
0xbe: {  	v19 =	vsub.f32 v19, v20;
	_ =	sdelay $0x1  }
0xbf: {  	v20 =	vadd.f32 $1.000000000e+00, v19  }
0xc0: {  	vm10 =	vlt.f32 v19, $0.0e+00  }
0xc1: {  	v19 =	vsel vm10, v20, v19  }
0xc2: {  	v19 =	vmul.f32 $1.280000000e+02, v19  }
0xc3: {  	v20 =	vld [tilespmem:$0x16450]  }
0xc4: {  	v19 =	vtrunc.f32 v19  }
0xc5: {  	v19 =	vcvt.f32.s32 v19;
	_ =	sdelay $0x1  }
0xc6: {  	vm11 =	vlt.s32 v19, $0x7F  }
0xc7: {  	v20 =	vadd.s32 v8, v20;
	v19 =	vnsel vm11, $0x7F, v19  }
0xc8: {  	v37 =	vadd.s32 v8, v19;
	_ =	sdelay $0x3  }
0xc9: {  	[tilespmem:v20+s7+$0x0] =	vst.idx.msk $0xffff, v1  }
0xca: {  	[tilespmem:v37+s7+$0x0] =	vst.idx.msk $0xffff, v3  }
0xcb: {  	[tilespmem:$0x16450] =	vst v19  }
0xcc: {  	v19 =	vld [tilespmem:s13+$0xFFFFFF60];
	_ =	sdelay $0x4  }
0xcd: {  	v19 =	vadd.f32 $3.141592740e+00, v19;
	_ =	sdelay $0x1  }
0xce: {  	v19 =	vmul.f32 $1.591549370e-01, v19;
	_ =	sdelay $0x1  }
0xcf: {  	v20 =	vtrunc.f32 v19  }
0xd0: {  	v20 =	vcvt.f32.s32 v20;
	_ =	sdelay $0x1  }
0xd1: {  	v20 =	vcvt.s32.f32 v20;
	_ =	sdelay $0x1  }
0xd2: {  	v19 =	vsub.f32 v19, v20;
	_ =	sdelay $0x1  }
0xd3: {  	v20 =	vadd.f32 $1.000000000e+00, v19  }
0xd4: {  	vm12 =	vlt.f32 v19, $0.0e+00  }
0xd5: {  	v19 =	vsel vm12, v20, v19  }
0xd6: {  	v19 =	vmul.f32 $1.280000000e+02, v19  }
0xd7: {  	v20 =	vld [tilespmem:$0x16460]  }
0xd8: {  	v19 =	vtrunc.f32 v19  }
0xd9: {  	v19 =	vcvt.f32.s32 v19;
	_ =	sdelay $0x1  }
0xda: {  	vm13 =	vlt.s32 v19, $0x7F  }
0xdb: {  	v20 =	vadd.s32 v9, v20;
	v19 =	vnsel vm13, $0x7F, v19  }
0xdc: {  	v38 =	vadd.s32 v9, v19;
	_ =	sdelay $0x3  }
0xdd: {  	[tilespmem:v20+s7+$0x0] =	vst.idx.msk $0xffff, v1  }
0xde: {  	[tilespmem:v38+s7+$0x0] =	vst.idx.msk $0xffff, v3  }
0xdf: {  	[tilespmem:$0x16460] =	vst v19  }
0xe0: {  	v19 =	vld [tilespmem:s13+$0xFFFFFF70];
	_ =	sdelay $0x4  }
0xe1: {  	v19 =	vadd.f32 $3.141592740e+00, v19;
	_ =	sdelay $0x1  }
0xe2: {  	v19 =	vmul.f32 $1.591549370e-01, v19;
	_ =	sdelay $0x1  }
0xe3: {  	v20 =	vtrunc.f32 v19  }
0xe4: {  	v20 =	vcvt.f32.s32 v20;
	_ =	sdelay $0x1  }
0xe5: {  	v20 =	vcvt.s32.f32 v20;
	_ =	sdelay $0x1  }
0xe6: {  	v19 =	vsub.f32 v19, v20;
	_ =	sdelay $0x1  }
0xe7: {  	v20 =	vadd.f32 $1.000000000e+00, v19  }
0xe8: {  	vm14 =	vlt.f32 v19, $0.0e+00  }
0xe9: {  	v19 =	vsel vm14, v20, v19  }
0xea: {  	v19 =	vmul.f32 $1.280000000e+02, v19  }
0xeb: {  	v20 =	vld [tilespmem:$0x16470]  }
0xec: {  	v19 =	vtrunc.f32 v19  }
0xed: {  	v19 =	vcvt.f32.s32 v19;
	_ =	sdelay $0x1  }
0xee: {  	vm15 =	vlt.s32 v19, $0x7F  }
0xef: {  	v20 =	vadd.s32 v10, v20;
	v19 =	vnsel vm15, $0x7F, v19  }
0xf0: {  	v39 =	vadd.s32 v10, v19;
	_ =	sdelay $0x3  }
0xf1: {  	[tilespmem:v20+s7+$0x0] =	vst.idx.msk $0xffff, v1  }
0xf2: {  	[tilespmem:v39+s7+$0x0] =	vst.idx.msk $0xffff, v3  }
0xf3: {  	[tilespmem:$0x16470] =	vst v19  }
0xf4: {  	v19 =	vld [tilespmem:s13+$0xFFFFFF80];
	_ =	sdelay $0x4  }
0xf5: {  	v19 =	vadd.f32 $3.141592740e+00, v19;
	_ =	sdelay $0x1  }
0xf6: {  	v19 =	vmul.f32 $1.591549370e-01, v19;
	_ =	sdelay $0x1  }
0xf7: {  	v20 =	vtrunc.f32 v19  }
0xf8: {  	v20 =	vcvt.f32.s32 v20;
	_ =	sdelay $0x1  }
0xf9: {  	v20 =	vcvt.s32.f32 v20;
	_ =	sdelay $0x1  }
0xfa: {  	v19 =	vsub.f32 v19, v20;
	_ =	sdelay $0x1  }
0xfb: {  	v20 =	vadd.f32 $1.000000000e+00, v19  }
0xfc: {  	vm4 =	vlt.f32 v19, $0.0e+00  }
0xfd: {  	v19 =	vsel vm4, v20, v19  }
0xfe: {  	v19 =	vmul.f32 $1.280000000e+02, v19  }
0xff: {  	v20 =	vld [tilespmem:$0x16480]  }
0x100: {  	v19 =	vtrunc.f32 v19  }
0x101: {  	v19 =	vcvt.f32.s32 v19;
	_ =	sdelay $0x1  }
0x102: {  	vm5 =	vlt.s32 v19, $0x7F  }
0x103: {  	v20 =	vadd.s32 v11, v20;
	v19 =	vnsel vm5, $0x7F, v19  }
0x104: {  	v40 =	vadd.s32 v11, v19;
	_ =	sdelay $0x3  }
0x105: {  	[tilespmem:v20+s7+$0x0] =	vst.idx.msk $0xffff, v1  }
0x106: {  	[tilespmem:v40+s7+$0x0] =	vst.idx.msk $0xffff, v3  }
0x107: {  	[tilespmem:$0x16480] =	vst v19  }
0x108: {  	v19 =	vld [tilespmem:s13+$0xFFFFFF90];
	_ =	sdelay $0x4  }
0x109: {  	v19 =	vadd.f32 $3.141592740e+00, v19;
	_ =	sdelay $0x1  }
0x10a: {  	v19 =	vmul.f32 $1.591549370e-01, v19;
	_ =	sdelay $0x1  }
0x10b: {  	v20 =	vtrunc.f32 v19  }
0x10c: {  	v20 =	vcvt.f32.s32 v20;
	_ =	sdelay $0x1  }
0x10d: {  	v20 =	vcvt.s32.f32 v20;
	_ =	sdelay $0x1  }
0x10e: {  	v19 =	vsub.f32 v19, v20;
	_ =	sdelay $0x1  }
0x10f: {  	v20 =	vadd.f32 $1.000000000e+00, v19  }
0x110: {  	vm6 =	vlt.f32 v19, $0.0e+00  }
0x111: {  	v19 =	vsel vm6, v20, v19  }
0x112: {  	v19 =	vmul.f32 $1.280000000e+02, v19  }
0x113: {  	v20 =	vld [tilespmem:$0x16490]  }
0x114: {  	v19 =	vtrunc.f32 v19  }
0x115: {  	v19 =	vcvt.f32.s32 v19;
	_ =	sdelay $0x1  }
0x116: {  	vm7 =	vlt.s32 v19, $0x7F  }
0x117: {  	v20 =	vadd.s32 v12, v20;
	v19 =	vnsel vm7, $0x7F, v19  }
0x118: {  	v41 =	vadd.s32 v12, v19;
	_ =	sdelay $0x3  }
0x119: {  	[tilespmem:v20+s7+$0x0] =	vst.idx.msk $0xffff, v1  }
0x11a: {  	[tilespmem:v41+s7+$0x0] =	vst.idx.msk $0xffff, v3  }
0x11b: {  	[tilespmem:$0x16490] =	vst v19  }
0x11c: {  	v19 =	vld [tilespmem:s13+$0xFFFFFFA0];
	_ =	sdelay $0x4  }
0x11d: {  	v19 =	vadd.f32 $3.141592740e+00, v19;
	_ =	sdelay $0x1  }
0x11e: {  	v19 =	vmul.f32 $1.591549370e-01, v19;
	_ =	sdelay $0x1  }
0x11f: {  	v20 =	vtrunc.f32 v19  }
0x120: {  	v20 =	vcvt.f32.s32 v20;
	_ =	sdelay $0x1  }
0x121: {  	v20 =	vcvt.s32.f32 v20;
	_ =	sdelay $0x1  }
0x122: {  	v19 =	vsub.f32 v19, v20;
	_ =	sdelay $0x1  }
0x123: {  	v20 =	vadd.f32 $1.000000000e+00, v19  }
0x124: {  	vm8 =	vlt.f32 v19, $0.0e+00  }
0x125: {  	v19 =	vsel vm8, v20, v19  }
0x126: {  	v19 =	vmul.f32 $1.280000000e+02, v19  }
0x127: {  	v20 =	vld [tilespmem:$0x164A0]  }
0x128: {  	v19 =	vtrunc.f32 v19  }
0x129: {  	v19 =	vcvt.f32.s32 v19;
	_ =	sdelay $0x1  }
0x12a: {  	vm9 =	vlt.s32 v19, $0x7F  }
0x12b: {  	v20 =	vadd.s32 v13, v20;
	v19 =	vnsel vm9, $0x7F, v19  }
0x12c: {  	v42 =	vadd.s32 v13, v19;
	_ =	sdelay $0x3  }
0x12d: {  	[tilespmem:v20+s7+$0x0] =	vst.idx.msk $0xffff, v1  }
0x12e: {  	[tilespmem:v42+s7+$0x0] =	vst.idx.msk $0xffff, v3  }
0x12f: {  	[tilespmem:$0x164A0] =	vst v19  }
0x130: {  	v19 =	vld [tilespmem:s13+$0xFFFFFFB0];
	_ =	sdelay $0x4  }
0x131: {  	v19 =	vadd.f32 $3.141592740e+00, v19;
	_ =	sdelay $0x1  }
0x132: {  	v19 =	vmul.f32 $1.591549370e-01, v19;
	_ =	sdelay $0x1  }
0x133: {  	v20 =	vtrunc.f32 v19  }
0x134: {  	v20 =	vcvt.f32.s32 v20;
	_ =	sdelay $0x1  }
0x135: {  	v20 =	vcvt.s32.f32 v20;
	_ =	sdelay $0x1  }
0x136: {  	v19 =	vsub.f32 v19, v20;
	_ =	sdelay $0x1  }
0x137: {  	v20 =	vadd.f32 $1.000000000e+00, v19  }
0x138: {  	vm10 =	vlt.f32 v19, $0.0e+00  }
0x139: {  	v19 =	vsel vm10, v20, v19  }
0x13a: {  	v19 =	vmul.f32 $1.280000000e+02, v19  }
0x13b: {  	v20 =	vld [tilespmem:$0x164B0]  }
0x13c: {  	v19 =	vtrunc.f32 v19  }
0x13d: {  	v19 =	vcvt.f32.s32 v19;
	_ =	sdelay $0x1  }
0x13e: {  	vm11 =	vlt.s32 v19, $0x7F  }
0x13f: {  	v20 =	vadd.s32 v14, v20;
	v19 =	vnsel vm11, $0x7F, v19  }
0x140: {  	v43 =	vadd.s32 v14, v19;
	_ =	sdelay $0x3  }
0x141: {  	[tilespmem:v20+s7+$0x0] =	vst.idx.msk $0xffff, v1  }
0x142: {  	[tilespmem:v43+s7+$0x0] =	vst.idx.msk $0xffff, v3  }
0x143: {  	[tilespmem:$0x164B0] =	vst v19  }
0x144: {  	v19 =	vld [tilespmem:s13+$0xFFFFFFC0];
	_ =	sdelay $0x4  }
0x145: {  	v19 =	vadd.f32 $3.141592740e+00, v19;
	_ =	sdelay $0x1  }
0x146: {  	v19 =	vmul.f32 $1.591549370e-01, v19;
	_ =	sdelay $0x1  }
0x147: {  	v20 =	vtrunc.f32 v19  }
0x148: {  	v20 =	vcvt.f32.s32 v20;
	_ =	sdelay $0x1  }
0x149: {  	v20 =	vcvt.s32.f32 v20;
	_ =	sdelay $0x1  }
0x14a: {  	v19 =	vsub.f32 v19, v20;
	_ =	sdelay $0x1  }
0x14b: {  	v20 =	vadd.f32 $1.000000000e+00, v19  }
0x14c: {  	vm12 =	vlt.f32 v19, $0.0e+00  }
0x14d: {  	v19 =	vsel vm12, v20, v19  }
0x14e: {  	v19 =	vmul.f32 $1.280000000e+02, v19  }
0x14f: {  	v20 =	vld [tilespmem:$0x164C0]  }
0x150: {  	v19 =	vtrunc.f32 v19  }
0x151: {  	v19 =	vcvt.f32.s32 v19;
	_ =	sdelay $0x1  }
0x152: {  	vm13 =	vlt.s32 v19, $0x7F  }
0x153: {  	v20 =	vadd.s32 v15, v20;
	v19 =	vnsel vm13, $0x7F, v19  }
0x154: {  	v44 =	vadd.s32 v15, v19;
	_ =	sdelay $0x3  }
0x155: {  	[tilespmem:v20+s7+$0x0] =	vst.idx.msk $0xffff, v1  }
0x156: {  	[tilespmem:v44+s7+$0x0] =	vst.idx.msk $0xffff, v3  }
0x157: {  	[tilespmem:$0x164C0] =	vst v19  }
0x158: {  	v19 =	vld [tilespmem:s13+$0xFFFFFFD0];
	_ =	sdelay $0x4  }
0x159: {  	v19 =	vadd.f32 $3.141592740e+00, v19;
	_ =	sdelay $0x1  }
0x15a: {  	v19 =	vmul.f32 $1.591549370e-01, v19;
	_ =	sdelay $0x1  }
0x15b: {  	v20 =	vtrunc.f32 v19  }
0x15c: {  	v20 =	vcvt.f32.s32 v20;
	_ =	sdelay $0x1  }
0x15d: {  	v20 =	vcvt.s32.f32 v20;
	_ =	sdelay $0x1  }
0x15e: {  	v19 =	vsub.f32 v19, v20;
	_ =	sdelay $0x1  }
0x15f: {  	v20 =	vadd.f32 $1.000000000e+00, v19  }
0x160: {  	vm14 =	vlt.f32 v19, $0.0e+00  }
0x161: {  	v19 =	vsel vm14, v20, v19  }
0x162: {  	v19 =	vmul.f32 $1.280000000e+02, v19  }
0x163: {  	v20 =	vld [tilespmem:$0x164D0]  }
0x164: {  	v19 =	vtrunc.f32 v19  }
0x165: {  	v19 =	vcvt.f32.s32 v19;
	_ =	sdelay $0x1  }
0x166: {  	vm15 =	vlt.s32 v19, $0x7F  }
0x167: {  	v20 =	vadd.s32 v16, v20;
	v19 =	vnsel vm15, $0x7F, v19  }
0x168: {  	v45 =	vadd.s32 v16, v19;
	_ =	sdelay $0x3  }
0x169: {  	[tilespmem:v20+s7+$0x0] =	vst.idx.msk $0xffff, v1  }
0x16a: {  	[tilespmem:v45+s7+$0x0] =	vst.idx.msk $0xffff, v3  }
0x16b: {  	[tilespmem:$0x164D0] =	vst v19  }
0x16c: {  	v19 =	vld [tilespmem:s13+$0xFFFFFFE0];
	_ =	sdelay $0x4  }
0x16d: {  	v19 =	vadd.f32 $3.141592740e+00, v19;
	_ =	sdelay $0x1  }
0x16e: {  	v19 =	vmul.f32 $1.591549370e-01, v19;
	_ =	sdelay $0x1  }
0x16f: {  	v20 =	vtrunc.f32 v19  }
0x170: {  	v20 =	vcvt.f32.s32 v20;
	_ =	sdelay $0x1  }
0x171: {  	v20 =	vcvt.s32.f32 v20;
	_ =	sdelay $0x1  }
0x172: {  	v19 =	vsub.f32 v19, v20;
	_ =	sdelay $0x1  }
0x173: {  	v20 =	vadd.f32 $1.000000000e+00, v19  }
0x174: {  	vm4 =	vlt.f32 v19, $0.0e+00  }
0x175: {  	v19 =	vsel vm4, v20, v19  }
0x176: {  	v19 =	vmul.f32 $1.280000000e+02, v19  }
0x177: {  	v20 =	vld [tilespmem:$0x164E0]  }
0x178: {  	v19 =	vtrunc.f32 v19  }
0x179: {  	v19 =	vcvt.f32.s32 v19;
	_ =	sdelay $0x1  }
0x17a: {  	vm5 =	vlt.s32 v19, $0x7F  }
0x17b: {  	v20 =	vadd.s32 v17, v20;
	v19 =	vnsel vm5, $0x7F, v19  }
0x17c: {  	v46 =	vadd.s32 v17, v19;
	_ =	sdelay $0x3  }
0x17d: {  	[tilespmem:v20+s7+$0x0] =	vst.idx.msk $0xffff, v1  }
0x17e: {  	[tilespmem:v46+s7+$0x0] =	vst.idx.msk $0xffff, v3  }
0x17f: {  	[tilespmem:$0x164E0] =	vst v19  }
0x180: {  	v19 =	vld [tilespmem:s13+$0xFFFFFFF0];
	_ =	sdelay $0x4  }
0x181: {  	v19 =	vadd.f32 $3.141592740e+00, v19;
	_ =	sdelay $0x1  }
0x182: {  	v19 =	vmul.f32 $1.591549370e-01, v19;
	_ =	sdelay $0x1  }
0x183: {  	v20 =	vtrunc.f32 v19  }
0x184: {  	v20 =	vcvt.f32.s32 v20;
	_ =	sdelay $0x1  }
0x185: {  	v20 =	vcvt.s32.f32 v20;
	_ =	sdelay $0x1  }
0x186: {  	v19 =	vsub.f32 v19, v20;
	_ =	sdelay $0x1  }
0x187: {  	v20 =	vadd.f32 $1.000000000e+00, v19  }
0x188: {  	vm6 =	vlt.f32 v19, $0.0e+00  }
0x189: {  	v19 =	vsel vm6, v20, v19  }
0x18a: {  	v19 =	vmul.f32 $1.280000000e+02, v19  }
0x18b: {  	v20 =	vld [tilespmem:$0x164F0]  }
0x18c: {  	v19 =	vtrunc.f32 v19  }
0x18d: {  	v19 =	vcvt.f32.s32 v19;
	_ =	sdelay $0x1  }
0x18e: {  	vm7 =	vlt.s32 v19, $0x7F  }
0x18f: {  	v20 =	vadd.s32 v18, v20;
	v19 =	vnsel vm7, $0x7F, v19  }
0x190: {  	v47 =	vadd.s32 v18, v19;
	_ =	sdelay $0x3  }
0x191: {  	[tilespmem:v20+s7+$0x0] =	vst.idx.msk $0xffff, v1  }
0x192: {  	[tilespmem:v47+s7+$0x0] =	vst.idx.msk $0xffff, v3  }
0x193: {  	s31 =	sadd.s32 s12, s5;
	s15 =	simm.s32 @!p0 $0x2;
	[tilespmem:$0x164F0] =	vst v19  }
0x194: {  	[hbm4b:s31+s2] =	stream.linear.scatter [tilespmem:s7], [sflag:$0x1], $0x8000, $0x38;
	[tilespmem:$0x16600] =	vst v63  }
0x195: {  	_ =	swait.ge @!p0 [sflag:s15], $0x8000  }
0x196: {  	[sflag:s15] =	ssyncset.done @!p0 $0x0  }
0x197: {  	[sflag:s15] =	ssyncadd.s32 @!p0 $0xFFFF8000  }
0x198: {  	v19 =	vld [tilespmem:s13+$0x0];
	_ =	sdelay $0x4  }
0x199: {  	v19 =	vadd.f32 $3.141592740e+00, v19;
	_ =	sdelay $0x1  }
0x19a: {  	v19 =	vmul.f32 $1.591549370e-01, v19;
	_ =	sdelay $0x1  }
0x19b: {  	v20 =	vtrunc.f32 v19  }
0x19c: {  	v20 =	vcvt.f32.s32 v20;
	_ =	sdelay $0x1  }
0x19d: {  	v20 =	vcvt.s32.f32 v20;
	_ =	sdelay $0x1  }
0x19e: {  	v19 =	vsub.f32 v19, v20;
	_ =	sdelay $0x1  }
0x19f: {  	v20 =	vadd.f32 $1.000000000e+00, v19  }
0x1a0: {  	vm8 =	vlt.f32 v19, $0.0e+00  }
0x1a1: {  	v19 =	vsel vm8, v20, v19  }
0x1a2: {  	v19 =	vmul.f32 $1.280000000e+02, v19  }
0x1a3: {  	v20 =	vld [tilespmem:$0x16500]  }
0x1a4: {  	v19 =	vtrunc.f32 v19  }
0x1a5: {  	v19 =	vcvt.f32.s32 v19;
	_ =	sdelay $0x1  }
0x1a6: {  	vm9 =	vlt.s32 v19, $0x7F  }
0x1a7: {  	v20 =	vadd.s32 v0, v20;
	v19 =	vnsel vm9, $0x7F, v19  }
0x1a8: {  	v48 =	vadd.s32 v0, v19;
	_ =	sdelay $0x3  }
0x1a9: {  	[tilespmem:v20+s8+$0x0] =	vst.idx.msk $0xffff, v1  }
0x1aa: {  	[tilespmem:v48+s8+$0x0] =	vst.idx.msk $0xffff, v3  }
0x1ab: {  	[tilespmem:$0x16500] =	vst v19  }
0x1ac: {  	v19 =	vld [tilespmem:s13+$0x10];
	_ =	sdelay $0x4  }
0x1ad: {  	v19 =	vadd.f32 $3.141592740e+00, v19;
	_ =	sdelay $0x1  }
0x1ae: {  	v19 =	vmul.f32 $1.591549370e-01, v19;
	_ =	sdelay $0x1  }
0x1af: {  	v20 =	vtrunc.f32 v19  }
0x1b0: {  	v20 =	vcvt.f32.s32 v20;
	_ =	sdelay $0x1  }
0x1b1: {  	v20 =	vcvt.s32.f32 v20;
	_ =	sdelay $0x1  }
0x1b2: {  	v19 =	vsub.f32 v19, v20;
	_ =	sdelay $0x1  }
0x1b3: {  	v20 =	vadd.f32 $1.000000000e+00, v19  }
0x1b4: {  	vm10 =	vlt.f32 v19, $0.0e+00  }
0x1b5: {  	v19 =	vsel vm10, v20, v19  }
0x1b6: {  	v19 =	vmul.f32 $1.280000000e+02, v19  }
0x1b7: {  	v20 =	vld [tilespmem:$0x16510]  }
0x1b8: {  	v19 =	vtrunc.f32 v19  }
0x1b9: {  	v19 =	vcvt.f32.s32 v19;
	_ =	sdelay $0x1  }
0x1ba: {  	vm11 =	vlt.s32 v19, $0x7F  }
0x1bb: {  	v20 =	vadd.s32 v4, v20;
	v19 =	vnsel vm11, $0x7F, v19  }
0x1bc: {  	v49 =	vadd.s32 v4, v19;
	_ =	sdelay $0x3  }
0x1bd: {  	[tilespmem:v20+s8+$0x0] =	vst.idx.msk $0xffff, v1  }
0x1be: {  	[tilespmem:v49+s8+$0x0] =	vst.idx.msk $0xffff, v3  }
0x1bf: {  	[tilespmem:$0x16510] =	vst v19  }
0x1c0: {  	v19 =	vld [tilespmem:s13+$0x20];
	_ =	sdelay $0x4  }
0x1c1: {  	v19 =	vadd.f32 $3.141592740e+00, v19;
	_ =	sdelay $0x1  }
0x1c2: {  	v19 =	vmul.f32 $1.591549370e-01, v19;
	_ =	sdelay $0x1  }
0x1c3: {  	v20 =	vtrunc.f32 v19  }
0x1c4: {  	v20 =	vcvt.f32.s32 v20;
	_ =	sdelay $0x1  }
0x1c5: {  	v20 =	vcvt.s32.f32 v20;
	_ =	sdelay $0x1  }
0x1c6: {  	v19 =	vsub.f32 v19, v20;
	_ =	sdelay $0x1  }
0x1c7: {  	v20 =	vadd.f32 $1.000000000e+00, v19  }
0x1c8: {  	vm12 =	vlt.f32 v19, $0.0e+00  }
0x1c9: {  	v19 =	vsel vm12, v20, v19  }
0x1ca: {  	v19 =	vmul.f32 $1.280000000e+02, v19  }
0x1cb: {  	v20 =	vld [tilespmem:$0x16520]  }
0x1cc: {  	v19 =	vtrunc.f32 v19  }
0x1cd: {  	v19 =	vcvt.f32.s32 v19;
	_ =	sdelay $0x1  }
0x1ce: {  	vm13 =	vlt.s32 v19, $0x7F  }
0x1cf: {  	v20 =	vadd.s32 v5, v20;
	v19 =	vnsel vm13, $0x7F, v19  }
0x1d0: {  	v50 =	vadd.s32 v5, v19;
	_ =	sdelay $0x3  }
0x1d1: {  	[tilespmem:v20+s8+$0x0] =	vst.idx.msk $0xffff, v1  }
0x1d2: {  	[tilespmem:v50+s8+$0x0] =	vst.idx.msk $0xffff, v3  }
0x1d3: {  	[tilespmem:$0x16520] =	vst v19  }
0x1d4: {  	v19 =	vld [tilespmem:s13+$0x30];
	_ =	sdelay $0x4  }
0x1d5: {  	v19 =	vadd.f32 $3.141592740e+00, v19;
	_ =	sdelay $0x1  }
0x1d6: {  	v19 =	vmul.f32 $1.591549370e-01, v19;
	_ =	sdelay $0x1  }
0x1d7: {  	v20 =	vtrunc.f32 v19  }
0x1d8: {  	v20 =	vcvt.f32.s32 v20;
	_ =	sdelay $0x1  }
0x1d9: {  	v20 =	vcvt.s32.f32 v20;
	_ =	sdelay $0x1  }
0x1da: {  	v19 =	vsub.f32 v19, v20;
	_ =	sdelay $0x1  }
0x1db: {  	v20 =	vadd.f32 $1.000000000e+00, v19  }
0x1dc: {  	vm14 =	vlt.f32 v19, $0.0e+00  }
0x1dd: {  	v19 =	vsel vm14, v20, v19  }
0x1de: {  	v19 =	vmul.f32 $1.280000000e+02, v19  }
0x1df: {  	v20 =	vld [tilespmem:$0x16530]  }
0x1e0: {  	v19 =	vtrunc.f32 v19  }
0x1e1: {  	v19 =	vcvt.f32.s32 v19;
	_ =	sdelay $0x1  }
0x1e2: {  	vm15 =	vlt.s32 v19, $0x7F  }
0x1e3: {  	v20 =	vadd.s32 v6, v20;
	v19 =	vnsel vm15, $0x7F, v19  }
0x1e4: {  	v51 =	vadd.s32 v6, v19;
	_ =	sdelay $0x3  }
0x1e5: {  	[tilespmem:v20+s8+$0x0] =	vst.idx.msk $0xffff, v1  }
0x1e6: {  	[tilespmem:v51+s8+$0x0] =	vst.idx.msk $0xffff, v3  }
0x1e7: {  	[tilespmem:$0x16530] =	vst v19  }
0x1e8: {  	v19 =	vld [tilespmem:s13+$0x40];
	_ =	sdelay $0x4  }
0x1e9: {  	v19 =	vadd.f32 $3.141592740e+00, v19;
	_ =	sdelay $0x1  }
0x1ea: {  	v19 =	vmul.f32 $1.591549370e-01, v19;
	_ =	sdelay $0x1  }
0x1eb: {  	v20 =	vtrunc.f32 v19  }
0x1ec: {  	v20 =	vcvt.f32.s32 v20;
	_ =	sdelay $0x1  }
0x1ed: {  	v20 =	vcvt.s32.f32 v20;
	_ =	sdelay $0x1  }
0x1ee: {  	v19 =	vsub.f32 v19, v20;
	_ =	sdelay $0x1  }
0x1ef: {  	v20 =	vadd.f32 $1.000000000e+00, v19  }
0x1f0: {  	vm4 =	vlt.f32 v19, $0.0e+00  }
0x1f1: {  	v19 =	vsel vm4, v20, v19  }
0x1f2: {  	v19 =	vmul.f32 $1.280000000e+02, v19  }
0x1f3: {  	v20 =	vld [tilespmem:$0x16540]  }
0x1f4: {  	v19 =	vtrunc.f32 v19  }
0x1f5: {  	v19 =	vcvt.f32.s32 v19;
	_ =	sdelay $0x1  }
0x1f6: {  	vm5 =	vlt.s32 v19, $0x7F  }
0x1f7: {  	v20 =	vadd.s32 v7, v20;
	v19 =	vnsel vm5, $0x7F, v19  }
0x1f8: {  	v52 =	vadd.s32 v7, v19;
	_ =	sdelay $0x3  }
0x1f9: {  	[tilespmem:v20+s8+$0x0] =	vst.idx.msk $0xffff, v1  }
0x1fa: {  	[tilespmem:v52+s8+$0x0] =	vst.idx.msk $0xffff, v3  }
0x1fb: {  	[tilespmem:$0x16540] =	vst v19  }
0x1fc: {  	v19 =	vld [tilespmem:s13+$0x50];
	_ =	sdelay $0x4  }
0x1fd: {  	v19 =	vadd.f32 $3.141592740e+00, v19;
	_ =	sdelay $0x1  }
0x1fe: {  	v19 =	vmul.f32 $1.591549370e-01, v19;
	_ =	sdelay $0x1  }
0x1ff: {  	v20 =	vtrunc.f32 v19  }
0x200: {  	v20 =	vcvt.f32.s32 v20;
	_ =	sdelay $0x1  }
0x201: {  	v20 =	vcvt.s32.f32 v20;
	_ =	sdelay $0x1  }
0x202: {  	v19 =	vsub.f32 v19, v20;
	_ =	sdelay $0x1  }
0x203: {  	v20 =	vadd.f32 $1.000000000e+00, v19  }
0x204: {  	vm6 =	vlt.f32 v19, $0.0e+00  }
0x205: {  	v19 =	vsel vm6, v20, v19  }
0x206: {  	v19 =	vmul.f32 $1.280000000e+02, v19  }
0x207: {  	v20 =	vld [tilespmem:$0x16550]  }
0x208: {  	v19 =	vtrunc.f32 v19  }
0x209: {  	v19 =	vcvt.f32.s32 v19;
	_ =	sdelay $0x1  }
0x20a: {  	vm7 =	vlt.s32 v19, $0x7F  }
0x20b: {  	v20 =	vadd.s32 v8, v20;
	v19 =	vnsel vm7, $0x7F, v19  }
0x20c: {  	v53 =	vadd.s32 v8, v19;
	_ =	sdelay $0x3  }
0x20d: {  	[tilespmem:v20+s8+$0x0] =	vst.idx.msk $0xffff, v1  }
0x20e: {  	[tilespmem:v53+s8+$0x0] =	vst.idx.msk $0xffff, v3  }
0x20f: {  	[tilespmem:$0x16550] =	vst v19  }
0x210: {  	v19 =	vld [tilespmem:s13+$0x60];
	_ =	sdelay $0x4  }
0x211: {  	v19 =	vadd.f32 $3.141592740e+00, v19;
	_ =	sdelay $0x1  }
0x212: {  	v19 =	vmul.f32 $1.591549370e-01, v19;
	_ =	sdelay $0x1  }
0x213: {  	v20 =	vtrunc.f32 v19  }
0x214: {  	v20 =	vcvt.f32.s32 v20;
	_ =	sdelay $0x1  }
0x215: {  	v20 =	vcvt.s32.f32 v20;
	_ =	sdelay $0x1  }
0x216: {  	v19 =	vsub.f32 v19, v20;
	_ =	sdelay $0x1  }
0x217: {  	v20 =	vadd.f32 $1.000000000e+00, v19  }
0x218: {  	vm8 =	vlt.f32 v19, $0.0e+00  }
0x219: {  	v19 =	vsel vm8, v20, v19  }
0x21a: {  	v19 =	vmul.f32 $1.280000000e+02, v19  }
0x21b: {  	v20 =	vld [tilespmem:$0x16560]  }
0x21c: {  	v19 =	vtrunc.f32 v19  }
0x21d: {  	v19 =	vcvt.f32.s32 v19;
	_ =	sdelay $0x1  }
0x21e: {  	vm9 =	vlt.s32 v19, $0x7F  }
0x21f: {  	v20 =	vadd.s32 v9, v20;
	v19 =	vnsel vm9, $0x7F, v19  }
0x220: {  	v54 =	vadd.s32 v9, v19;
	_ =	sdelay $0x3  }
0x221: {  	[tilespmem:v20+s8+$0x0] =	vst.idx.msk $0xffff, v1  }
0x222: {  	[tilespmem:v54+s8+$0x0] =	vst.idx.msk $0xffff, v3  }
0x223: {  	[tilespmem:$0x16560] =	vst v19  }
0x224: {  	v19 =	vld [tilespmem:s13+$0x70];
	_ =	sdelay $0x4  }
0x225: {  	v19 =	vadd.f32 $3.141592740e+00, v19;
	_ =	sdelay $0x1  }
0x226: {  	v19 =	vmul.f32 $1.591549370e-01, v19;
	_ =	sdelay $0x1  }
0x227: {  	v20 =	vtrunc.f32 v19  }
0x228: {  	v20 =	vcvt.f32.s32 v20;
	_ =	sdelay $0x1  }
0x229: {  	v20 =	vcvt.s32.f32 v20;
	_ =	sdelay $0x1  }
0x22a: {  	v19 =	vsub.f32 v19, v20;
	_ =	sdelay $0x1  }
0x22b: {  	v20 =	vadd.f32 $1.000000000e+00, v19  }
0x22c: {  	vm10 =	vlt.f32 v19, $0.0e+00  }
0x22d: {  	v19 =	vsel vm10, v20, v19  }
0x22e: {  	v19 =	vmul.f32 $1.280000000e+02, v19  }
0x22f: {  	v20 =	vld [tilespmem:$0x16570]  }
0x230: {  	v19 =	vtrunc.f32 v19  }
0x231: {  	v19 =	vcvt.f32.s32 v19;
	_ =	sdelay $0x1  }
0x232: {  	vm11 =	vlt.s32 v19, $0x7F  }
0x233: {  	v20 =	vadd.s32 v10, v20;
	v19 =	vnsel vm11, $0x7F, v19  }
0x234: {  	v55 =	vadd.s32 v10, v19;
	_ =	sdelay $0x3  }
0x235: {  	[tilespmem:v20+s8+$0x0] =	vst.idx.msk $0xffff, v1  }
0x236: {  	[tilespmem:v55+s8+$0x0] =	vst.idx.msk $0xffff, v3  }
0x237: {  	[tilespmem:$0x16570] =	vst v19  }
0x238: {  	v19 =	vld [tilespmem:s13+$0x80];
	_ =	sdelay $0x4  }
0x239: {  	v19 =	vadd.f32 $3.141592740e+00, v19;
	_ =	sdelay $0x1  }
0x23a: {  	v19 =	vmul.f32 $1.591549370e-01, v19;
	_ =	sdelay $0x1  }
0x23b: {  	v20 =	vtrunc.f32 v19  }
0x23c: {  	v20 =	vcvt.f32.s32 v20;
	_ =	sdelay $0x1  }
0x23d: {  	v20 =	vcvt.s32.f32 v20;
	_ =	sdelay $0x1  }
0x23e: {  	v19 =	vsub.f32 v19, v20;
	_ =	sdelay $0x1  }
0x23f: {  	v20 =	vadd.f32 $1.000000000e+00, v19  }
0x240: {  	vm12 =	vlt.f32 v19, $0.0e+00  }
0x241: {  	v19 =	vsel vm12, v20, v19  }
0x242: {  	v19 =	vmul.f32 $1.280000000e+02, v19  }
0x243: {  	v20 =	vld [tilespmem:$0x16580]  }
0x244: {  	v19 =	vtrunc.f32 v19  }
0x245: {  	v19 =	vcvt.f32.s32 v19;
	_ =	sdelay $0x1  }
0x246: {  	vm13 =	vlt.s32 v19, $0x7F  }
0x247: {  	v20 =	vadd.s32 v11, v20;
	v19 =	vnsel vm13, $0x7F, v19  }
0x248: {  	v56 =	vadd.s32 v11, v19;
	_ =	sdelay $0x3  }
0x249: {  	[tilespmem:v20+s8+$0x0] =	vst.idx.msk $0xffff, v1  }
0x24a: {  	[tilespmem:v56+s8+$0x0] =	vst.idx.msk $0xffff, v3  }
0x24b: {  	[tilespmem:$0x16580] =	vst v19  }
0x24c: {  	v19 =	vld [tilespmem:s13+$0x90];
	_ =	sdelay $0x4  }
0x24d: {  	v19 =	vadd.f32 $3.141592740e+00, v19;
	_ =	sdelay $0x1  }
0x24e: {  	v19 =	vmul.f32 $1.591549370e-01, v19;
	_ =	sdelay $0x1  }
0x24f: {  	v20 =	vtrunc.f32 v19  }
0x250: {  	v20 =	vcvt.f32.s32 v20;
	_ =	sdelay $0x1  }
0x251: {  	v20 =	vcvt.s32.f32 v20;
	_ =	sdelay $0x1  }
0x252: {  	v19 =	vsub.f32 v19, v20;
	_ =	sdelay $0x1  }
0x253: {  	v20 =	vadd.f32 $1.000000000e+00, v19  }
0x254: {  	vm14 =	vlt.f32 v19, $0.0e+00  }
0x255: {  	v19 =	vsel vm14, v20, v19  }
0x256: {  	v19 =	vmul.f32 $1.280000000e+02, v19  }
0x257: {  	v20 =	vld [tilespmem:$0x16590]  }
0x258: {  	v19 =	vtrunc.f32 v19  }
0x259: {  	v19 =	vcvt.f32.s32 v19;
	_ =	sdelay $0x1  }
0x25a: {  	vm15 =	vlt.s32 v19, $0x7F  }
0x25b: {  	v20 =	vadd.s32 v12, v20;
	v19 =	vnsel vm15, $0x7F, v19  }
0x25c: {  	v57 =	vadd.s32 v12, v19;
	_ =	sdelay $0x3  }
0x25d: {  	[tilespmem:v20+s8+$0x0] =	vst.idx.msk $0xffff, v1  }
0x25e: {  	[tilespmem:v57+s8+$0x0] =	vst.idx.msk $0xffff, v3  }
0x25f: {  	[tilespmem:$0x16590] =	vst v19  }
0x260: {  	v19 =	vld [tilespmem:s13+$0xA0];
	_ =	sdelay $0x4  }
0x261: {  	v19 =	vadd.f32 $3.141592740e+00, v19;
	_ =	sdelay $0x1  }
0x262: {  	v19 =	vmul.f32 $1.591549370e-01, v19;
	_ =	sdelay $0x1  }
0x263: {  	v20 =	vtrunc.f32 v19  }
0x264: {  	v20 =	vcvt.f32.s32 v20;
	_ =	sdelay $0x1  }
0x265: {  	v20 =	vcvt.s32.f32 v20;
	_ =	sdelay $0x1  }
0x266: {  	v19 =	vsub.f32 v19, v20;
	_ =	sdelay $0x1  }
0x267: {  	v20 =	vadd.f32 $1.000000000e+00, v19  }
0x268: {  	vm4 =	vlt.f32 v19, $0.0e+00  }
0x269: {  	v19 =	vsel vm4, v20, v19  }
0x26a: {  	v19 =	vmul.f32 $1.280000000e+02, v19  }
0x26b: {  	v20 =	vld [tilespmem:$0x165A0]  }
0x26c: {  	v19 =	vtrunc.f32 v19  }
0x26d: {  	v19 =	vcvt.f32.s32 v19;
	_ =	sdelay $0x1  }
0x26e: {  	vm5 =	vlt.s32 v19, $0x7F  }
0x26f: {  	v20 =	vadd.s32 v13, v20;
	v19 =	vnsel vm5, $0x7F, v19  }
0x270: {  	v58 =	vadd.s32 v13, v19;
	_ =	sdelay $0x3  }
0x271: {  	[tilespmem:v20+s8+$0x0] =	vst.idx.msk $0xffff, v1  }
0x272: {  	[tilespmem:v58+s8+$0x0] =	vst.idx.msk $0xffff, v3  }
0x273: {  	[tilespmem:$0x165A0] =	vst v19  }
0x274: {  	v19 =	vld [tilespmem:s13+$0xB0];
	_ =	sdelay $0x4  }
0x275: {  	v19 =	vadd.f32 $3.141592740e+00, v19;
	_ =	sdelay $0x1  }
0x276: {  	v19 =	vmul.f32 $1.591549370e-01, v19;
	_ =	sdelay $0x1  }
0x277: {  	v20 =	vtrunc.f32 v19  }
0x278: {  	v20 =	vcvt.f32.s32 v20;
	_ =	sdelay $0x1  }
0x279: {  	v20 =	vcvt.s32.f32 v20;
	_ =	sdelay $0x1  }
0x27a: {  	v19 =	vsub.f32 v19, v20;
	_ =	sdelay $0x1  }
0x27b: {  	v20 =	vadd.f32 $1.000000000e+00, v19  }
0x27c: {  	vm6 =	vlt.f32 v19, $0.0e+00  }
0x27d: {  	v19 =	vsel vm6, v20, v19  }
0x27e: {  	v19 =	vmul.f32 $1.280000000e+02, v19  }
0x27f: {  	v20 =	vld [tilespmem:$0x165B0]  }
0x280: {  	v19 =	vtrunc.f32 v19  }
0x281: {  	v19 =	vcvt.f32.s32 v19;
	_ =	sdelay $0x1  }
0x282: {  	vm7 =	vlt.s32 v19, $0x7F  }
0x283: {  	v20 =	vadd.s32 v14, v20;
	v19 =	vnsel vm7, $0x7F, v19  }
0x284: {  	v59 =	vadd.s32 v14, v19;
	_ =	sdelay $0x3  }
0x285: {  	[tilespmem:v20+s8+$0x0] =	vst.idx.msk $0xffff, v1  }
0x286: {  	[tilespmem:v59+s8+$0x0] =	vst.idx.msk $0xffff, v3  }
0x287: {  	[tilespmem:$0x165B0] =	vst v19  }
0x288: {  	v19 =	vld [tilespmem:s13+$0xC0];
	_ =	sdelay $0x4  }
0x289: {  	v19 =	vadd.f32 $3.141592740e+00, v19;
	_ =	sdelay $0x1  }
0x28a: {  	v19 =	vmul.f32 $1.591549370e-01, v19;
	_ =	sdelay $0x1  }
0x28b: {  	v20 =	vtrunc.f32 v19  }
0x28c: {  	v20 =	vcvt.f32.s32 v20;
	_ =	sdelay $0x1  }
0x28d: {  	v20 =	vcvt.s32.f32 v20;
	_ =	sdelay $0x1  }
0x28e: {  	v19 =	vsub.f32 v19, v20;
	_ =	sdelay $0x1  }
0x28f: {  	v20 =	vadd.f32 $1.000000000e+00, v19  }
0x290: {  	vm8 =	vlt.f32 v19, $0.0e+00  }
0x291: {  	v19 =	vsel vm8, v20, v19  }
0x292: {  	v19 =	vmul.f32 $1.280000000e+02, v19  }
0x293: {  	v20 =	vld [tilespmem:$0x165C0]  }
0x294: {  	v19 =	vtrunc.f32 v19  }
0x295: {  	v19 =	vcvt.f32.s32 v19;
	_ =	sdelay $0x1  }
0x296: {  	vm9 =	vlt.s32 v19, $0x7F  }
0x297: {  	v20 =	vadd.s32 v15, v20;
	v19 =	vnsel vm9, $0x7F, v19  }
0x298: {  	v60 =	vadd.s32 v15, v19;
	_ =	sdelay $0x3  }
0x299: {  	[tilespmem:v20+s8+$0x0] =	vst.idx.msk $0xffff, v1  }
0x29a: {  	[tilespmem:v60+s8+$0x0] =	vst.idx.msk $0xffff, v3  }
0x29b: {  	[tilespmem:$0x165C0] =	vst v19  }
0x29c: {  	v19 =	vld [tilespmem:s13+$0xD0];
	_ =	sdelay $0x4  }
0x29d: {  	v19 =	vadd.f32 $3.141592740e+00, v19;
	_ =	sdelay $0x1  }
0x29e: {  	v19 =	vmul.f32 $1.591549370e-01, v19;
	_ =	sdelay $0x1  }
0x29f: {  	v20 =	vtrunc.f32 v19  }
0x2a0: {  	v20 =	vcvt.f32.s32 v20;
	_ =	sdelay $0x1  }
0x2a1: {  	v20 =	vcvt.s32.f32 v20;
	_ =	sdelay $0x1  }
0x2a2: {  	v19 =	vsub.f32 v19, v20;
	_ =	sdelay $0x1  }
0x2a3: {  	v20 =	vadd.f32 $1.000000000e+00, v19  }
0x2a4: {  	vm10 =	vlt.f32 v19, $0.0e+00  }
0x2a5: {  	v19 =	vsel vm10, v20, v19  }
0x2a6: {  	v19 =	vmul.f32 $1.280000000e+02, v19  }
0x2a7: {  	v20 =	vld [tilespmem:$0x165D0]  }
0x2a8: {  	v19 =	vtrunc.f32 v19  }
0x2a9: {  	v19 =	vcvt.f32.s32 v19;
	_ =	sdelay $0x1  }
0x2aa: {  	vm11 =	vlt.s32 v19, $0x7F  }
0x2ab: {  	v20 =	vadd.s32 v16, v20;
	v19 =	vnsel vm11, $0x7F, v19  }
0x2ac: {  	v61 =	vadd.s32 v16, v19;
	_ =	sdelay $0x3  }
0x2ad: {  	[tilespmem:v20+s8+$0x0] =	vst.idx.msk $0xffff, v1  }
0x2ae: {  	[tilespmem:v61+s8+$0x0] =	vst.idx.msk $0xffff, v3  }
0x2af: {  	[tilespmem:$0x165D0] =	vst v19  }
0x2b0: {  	v19 =	vld [tilespmem:s13+$0xE0];
	_ =	sdelay $0x4  }
0x2b1: {  	v19 =	vadd.f32 $3.141592740e+00, v19;
	_ =	sdelay $0x1  }
0x2b2: {  	v19 =	vmul.f32 $1.591549370e-01, v19;
	_ =	sdelay $0x1  }
0x2b3: {  	v20 =	vtrunc.f32 v19  }
0x2b4: {  	v20 =	vcvt.f32.s32 v20;
	_ =	sdelay $0x1  }
0x2b5: {  	v20 =	vcvt.s32.f32 v20;
	_ =	sdelay $0x1  }
0x2b6: {  	v19 =	vsub.f32 v19, v20;
	_ =	sdelay $0x1  }
0x2b7: {  	v20 =	vadd.f32 $1.000000000e+00, v19  }
0x2b8: {  	vm12 =	vlt.f32 v19, $0.0e+00  }
0x2b9: {  	v19 =	vsel vm12, v20, v19  }
0x2ba: {  	v19 =	vmul.f32 $1.280000000e+02, v19  }
0x2bb: {  	v20 =	vld [tilespmem:$0x165E0]  }
0x2bc: {  	v19 =	vtrunc.f32 v19  }
0x2bd: {  	v19 =	vcvt.f32.s32 v19;
	_ =	sdelay $0x1  }
0x2be: {  	vm13 =	vlt.s32 v19, $0x7F  }
0x2bf: {  	v20 =	vadd.s32 v17, v20;
	v19 =	vnsel vm13, $0x7F, v19  }
0x2c0: {  	v62 =	vadd.s32 v17, v19;
	_ =	sdelay $0x3  }
0x2c1: {  	[tilespmem:v20+s8+$0x0] =	vst.idx.msk $0xffff, v1  }
0x2c2: {  	[tilespmem:v62+s8+$0x0] =	vst.idx.msk $0xffff, v3  }
0x2c3: {  	[tilespmem:$0x165E0] =	vst v19  }
0x2c4: {  	v19 =	vld [tilespmem:s13+$0xF0];
	_ =	sdelay $0x4  }
0x2c5: {  	v19 =	vadd.f32 $3.141592740e+00, v19;
	_ =	sdelay $0x1  }
0x2c6: {  	v19 =	vmul.f32 $1.591549370e-01, v19;
	_ =	sdelay $0x1  }
0x2c7: {  	v20 =	vtrunc.f32 v19  }
0x2c8: {  	v20 =	vcvt.f32.s32 v20;
	_ =	sdelay $0x1  }
0x2c9: {  	v20 =	vcvt.s32.f32 v20;
	_ =	sdelay $0x1  }
0x2ca: {  	v19 =	vsub.f32 v19, v20;
	_ =	sdelay $0x1  }
0x2cb: {  	v20 =	vadd.f32 $1.000000000e+00, v19  }
0x2cc: {  	vm14 =	vlt.f32 v19, $0.0e+00  }
0x2cd: {  	v19 =	vsel vm14, v20, v19  }
0x2ce: {  	v19 =	vmul.f32 $1.280000000e+02, v19  }
0x2cf: {  	v20 =	vld [tilespmem:$0x165F0]  }
0x2d0: {  	v19 =	vtrunc.f32 v19  }
0x2d1: {  	v19 =	vcvt.f32.s32 v19;
	_ =	sdelay $0x1  }
0x2d2: {  	vm15 =	vlt.s32 v19, $0x7F  }
0x2d3: {  	v20 =	vadd.s32 v18, v20;
	v19 =	vnsel vm15, $0x7F, v19  }
0x2d4: {  	v63 =	vadd.s32 v18, v19  }
0x2d5: {  	s12 =	sadd.s32 $0x2000, s12  }
0x2d6: {  	p0 =	sne.s32 s12, $0x64000  }
.Ltmp1:
0x2d7: {  	_ = 	snop;
	(pc) =	sbr.rel @p0 .LBB2_4-.Ltmp1, $4  }
0x2d8: {  	[tilespmem:v20+s8+$0x0] =	vst.idx.msk $0xffff, v1  }
0x2d9: {  	[tilespmem:v63+s8+$0x0] =	vst.idx.msk $0xffff, v3  }
0x2da: {  	s14 =	sadd.s32 $0x1000, s31;
	s13 =	sadd.s32 $0x200, s13;
	[tilespmem:$0x165F0] =	vst v19  }
0x2db: {  	[hbm4b:s14+s2] =	stream.linear.scatter [tilespmem:s8], [sflag:$0x2], $0x8000, $0x38;
	[tilespmem:$0x16600] =	vst v63  }
0x2dc: {  	s11 =	sadd.s32 $0x1, s11  }
0x2dd: {  	_ =	swait.ge [sflag:s9], $0x8000;
	p0 =	sne.s32 s11, s4  }
.Ltmp2:
0x2de: {  	[sflag:s9] =	ssyncset.done $0x0;
	(pc) =	sbr.rel @p0 .LBB2_1-.Ltmp2, $4  }
0x2df: {  	[sflag:s9] =	ssyncadd.s32 $0xFFFF8000  }
0x2e0: {  	_ =	swait.ge [sflag:s10], $0x8000  }
0x2e1: {  	[sflag:s10] =	ssyncset.done $0x0  }
0x2e2: {  	[sflag:s10] =	ssyncadd.s32 $0xFFFF8000  }
0x2e3: {  	_ =	sfence.sel $0x180000  }
0x2e4: {  	[bflag:$0x0] =	sbarrier.arrive $0xFFFF  }
0x2e5: {  	p0 =	sne.s32 s0, $0x0;
	_ =	strace $0x90000047  }
0x2e6: {  	s0 =	sadd.s32 @!p0 $0x100000, s1;
	[bflag:$0x2] =	sbarrier.arrive $0xFFFF  }
0x2e7: {  	[sflag:s0] =	ssyncadd.tile.s32 @!p0 $0x1;
	_ =	shalt  }
.Lfunc_end2:
_tile_overlayer_lowered:
.L_overlay_start_2:
0x2e8: {  	(tag) =	ssettag $0x2  }
0x2e9: {  	s0 =	rddreg [dreg:$0x0];
	s2 =	stileid.u32  }
0x2ea: {  	s1 =	rddreg [dreg:$0x1];
	p0 =	sne.s32 s2, $0x0  }
0x2eb: {  	s3 =	rddreg [dreg:$0x2];
	[bflag:$0x3] =	sbarrier.arrive $0xFFFF;
	s2 =	simm.s32 @!p0 $0x1C03  }
0x2ec: {  	[timem:s3], [sflag:s2] =	dma.local @!p0 [hbm:s0], s1  }
0x2ed: {  	s0 =	simm.s32 @!p0 $0x3  }
0x2ee: {  	_ =	swait.ge @!p0 [sflag:s0], s1  }
0x2ef: {  	s1 =	ssub.s32 @!p0 $0x0, s1;
	[sflag:s0] =	ssyncset.done @!p0 $0x0  }
0x2f0: {  	[sflag:s0] =	ssyncadd.s32 @!p0 s1  }
0x2f1: {  	[bflag:$0x3] =	sbarrier.arrive $0xFFFF  }
0x2f2: {  	_ =	shalt  }

</sc_bundles>
